<compile_context>
chip_gen: v7x
topology: tpu7x:2x2x1
jax: 0.10.2.dev20260603
libtpu: 0.0.44.dev20260713+nightly
codegen_flags: <defaults>
</compile_context>

<pallas_src>
import jax
import jax.numpy as jnp
from jax import lax
from jax.experimental import pallas as pl
from jax.experimental.pallas import tpu as pltpu
from jax.experimental.pallas import tpu_sc as plsc

B, S, H, D, K = 64, 32, 256, 64, 8
L = 16
NC, NS = 2, 16
NW = NC * NS
P = B * K
PPW = P // NW
RPB = 8
SUB = (H * D) // RPB
PPD = 1
NDMA = PPW // PPD
NSLOT = 5


def _gather_body(mem_hbm, tk_hbm, out_hbm, tk_v, idx_v, bufs, gsems, osems):
    wid = lax.axis_index("s") * NC + lax.axis_index("c")
    base = wid * PPW

    pltpu.sync_copy(tk_hbm.at[pl.ds(base, PPW)], tk_v)
    lane = lax.broadcasted_iota(jnp.int32, (L,), 0)
    p_vec = base + lane
    b_vec = lax.shift_right_logical(p_vec, 3)
    flat_reg = b_vec * S + tk_v[...]
    half = lax.shift_right_logical(lane, 3)
    for t in range(PPW // 2):
        fvec = flat_reg.at[2 * t + half].get(mode="promise_in_bounds")
        idx_v[pl.ds(t * L, L)] = fvec

    def gissue(g):
        slot = g % NSLOT
        return pltpu.async_copy(
            mem_hbm.at[idx_v.at[pl.ds(g * RPB, 1)]], bufs[slot], gsems[slot])

    gcp = [None] * NSLOT
    ocp = [None] * NSLOT
    for g in range(NSLOT):
        gcp[g] = gissue(g)
    for g in range(NDMA):
        slot = g % NSLOT
        gcp[slot].wait()
        ocp[slot] = pltpu.async_copy(
            bufs[slot], out_hbm.at[pl.ds(base + g, 1)], osems[slot])
        if g + NSLOT < NDMA:
            ocp[slot].wait()
            gcp[slot] = gissue(g + NSLOT)
    for g in range(NDMA - NSLOT, NDMA):
        ocp[g % NSLOT].wait()


def kernel(memories_per_batch, topk_indices, gates):
    del gates
    mem6 = memories_per_batch.reshape(B, S, 2, 128, 8, 8)
    mem2 = mem6.transpose(0, 1, 5, 4, 2, 3).reshape(B * S, RPB, SUB)
    tk = topk_indices.reshape(P).astype(jnp.int32)

    mesh = plsc.VectorSubcoreMesh(
        core_axis_name="c", subcore_axis_name="s", num_cores=NC, num_subcores=NS
    )
    out = pl.kernel(
        _gather_body,
        out_type=jax.ShapeDtypeStruct((P, RPB, SUB), jnp.float32),
        mesh=mesh,
        scratch_types=[
            pltpu.VMEM((PPW,), jnp.int32),
            pltpu.VMEM((PPW * RPB,), jnp.int32),
            [pltpu.VMEM((1, RPB, SUB), jnp.float32) for _ in range(NSLOT)],
            [pltpu.SemaphoreType.DMA for _ in range(NSLOT)],
            [pltpu.SemaphoreType.DMA for _ in range(NSLOT)],
        ],
    )(mem2, tk)
    out6 = out.reshape(B, K, 8, 8, 2, 128)
    return out6.transpose(0, 1, 4, 5, 3, 2).reshape(B, K, H, D)

# --- scband reference (transcript-rebuilt; emitter-appended) ---
"""Pipeline reference for scband-segment-memory-archive-59382217834564 (READ-ONLY COPY).

The authoritative reference and input builder live on the scoring server;
editing this copy changes nothing except your own understanding.
"""

import jax, jax.numpy as jnp
import numpy as np

B, S, H, D, K = 64, 32, 256, 64, 8
RECOMPUTATION_RATIO = 0.0

def setup_inputs(seed: int = 0) -> dict:
    key = jax.random.key(seed)
    k1, k2, k3 = jax.random.split(key, 3)
    memories_per_batch = jax.random.normal(k1, (B, S, H, D), dtype=jnp.float32)
    topk_indices = jax.random.randint(k2, (B, K), 0, S)
    gates = jax.random.uniform(k3, (B, K), dtype=jnp.float32)
    return {"memories_per_batch": memories_per_batch, "topk_indices": topk_indices, "gates": gates}

def _build_recompute_mask(gates, ratio):
    # mirrors SegmentMemoryArchive._build_recompute_mask
    if ratio <= 0.0 or gates.size == 0:
        return jnp.zeros(gates.shape, dtype=bool)
    flat = gates.reshape(-1)
    num = int(flat.shape[0] * ratio)
    if num <= 0:
        return jnp.zeros(gates.shape, dtype=bool)
    num = min(num, flat.shape[0])
    _, order = jax.lax.top_k(flat, num)
    mask = jnp.zeros(flat.shape, dtype=bool).at[order].set(True)
    return mask.reshape(gates.shape)

def reference(memories_per_batch, topk_indices, gates):
    # retrieve_memories core: batched gather of per-segment memory matrices.
    # memories_per_batch: [B, S, H, D]; topk_indices: [B, K]
    idx = topk_indices[:, :, None, None]  # [B, K, 1, 1]
    selected = jnp.take_along_axis(memories_per_batch, idx, axis=1)  # [B, K, H, D]
    # recompute mask with recomputation_ratio=0.0 -> all False, so no
    # checkpoint recomputation path is taken (matches configured module).
    mask = _build_recompute_mask(gates, RECOMPUTATION_RATIO)
    selected = jnp.where(mask[:, :, None, None], selected, selected)
    return selected

if __name__ == "__main__":
    import jax
    _d = setup_inputs()
    print(jax.jit(kernel)(*tuple(_d.values())))

</pallas_src>

<mosaic_0001>
#map = affine_map<(d0, d1) -> (0, 0, 0)>
#map1 = affine_map<(d0, d1) -> (0)>
module attributes {stable_mosaic.version = 14 : i64} {
  func.func @_gather_body(%arg0: i32, %arg1: i32, %arg2: memref<2048x8x2048xf32, #tpu.memory_space<hbm>>, %arg3: memref<512xi32, #tpu.memory_space<hbm>>, %arg4: memref<512x8x2048xf32, #tpu.memory_space<hbm>>, %arg5: memref<16xi32, #tpu.memory_space<vmem>>, %arg6: memref<128xi32, #tpu.memory_space<vmem>>, %arg7: memref<1x8x2048xf32, #tpu.memory_space<vmem>>, %arg8: memref<1x8x2048xf32, #tpu.memory_space<vmem>>, %arg9: memref<1x8x2048xf32, #tpu.memory_space<vmem>>, %arg10: memref<1x8x2048xf32, #tpu.memory_space<vmem>>, %arg11: memref<1x8x2048xf32, #tpu.memory_space<vmem>>, %arg12: memref<!tpu.dma_semaphore, #tpu.memory_space<semaphore_mem>>, %arg13: memref<!tpu.dma_semaphore, #tpu.memory_space<semaphore_mem>>, %arg14: memref<!tpu.dma_semaphore, #tpu.memory_space<semaphore_mem>>, %arg15: memref<!tpu.dma_semaphore, #tpu.memory_space<semaphore_mem>>, %arg16: memref<!tpu.dma_semaphore, #tpu.memory_space<semaphore_mem>>, %arg17: memref<!tpu.dma_semaphore, #tpu.memory_space<semaphore_mem>>, %arg18: memref<!tpu.dma_semaphore, #tpu.memory_space<semaphore_mem>>, %arg19: memref<!tpu.dma_semaphore, #tpu.memory_space<semaphore_mem>>, %arg20: memref<!tpu.dma_semaphore, #tpu.memory_space<semaphore_mem>>, %arg21: memref<!tpu.dma_semaphore, #tpu.memory_space<semaphore_mem>>) attributes {dimension_semantics = [#tpu.dimension_semantics<core_parallel>, #tpu.dimension_semantics<subcore_parallel>], iteration_bounds = array<i64: 2, 16>, scalar_prefetch = 0 : i64, scratch_operands = 17 : i64, tpu.core_type = #tpu.core_type<sc_vector_subcore>, window_params = [{transform_indices = #map}, {transform_indices = #map1}, {transform_indices = #map}]} {
    %mul3A = arith.constant 2 : i32
    %mul3A_0 = arith.muli %arg1, %mul3A : i32
    %add3A = arith.addi %mul3A_0, %arg0 : i32
    %mul3A_1 = arith.constant 16 : i32
    %mul3A_2 = arith.muli %add3A, %mul3A_1 : i32
    "tpu.region"() ({
      %run_scoped3A = tpu.sem_alloc : memref<!tpu.dma_semaphore, #tpu.memory_space<semaphore_mem>>
      %dma_start3A_561 = tpu.memref_slice %arg3[%mul3A_2] : memref<512xi32, #tpu.memory_space<hbm>> -> memref<16xi32, #tpu.memory_space<hbm>>
      %dma_start3A_562 = tpu.memref_slice %arg3[%mul3A_2] : memref<512xi32, #tpu.memory_space<hbm>> -> memref<16xi32, #tpu.memory_space<hbm>>
      tpu.enqueue_dma source(%dma_start3A_562 : memref<16xi32, #tpu.memory_space<hbm>>) target(%arg5 : memref<16xi32, #tpu.memory_space<vmem>>) target_semaphore(%run_scoped3A : memref<!tpu.dma_semaphore, #tpu.memory_space<semaphore_mem>>)
      %dma_wait3A_563 = tpu.memref_slice %arg3[%mul3A_2] : memref<512xi32, #tpu.memory_space<hbm>> -> memref<16xi32, #tpu.memory_space<hbm>>
      %dma_wait3A_564 = tpu.memref_slice %arg3[%mul3A_2] : memref<512xi32, #tpu.memory_space<hbm>> -> memref<16xi32, #tpu.memory_space<hbm>>
      tpu.wait_dma2 semaphore(%run_scoped3A : memref<!tpu.dma_semaphore, #tpu.memory_space<semaphore_mem>>) src(%dma_wait3A_564 : memref<16xi32, #tpu.memory_space<hbm>>) dst(%arg5 : memref<16xi32, #tpu.memory_space<vmem>>)
      tpu.yield
    }) : () -> ()
    %iota3A = tpu.iota {dimensions = array<i32: 0>} : vector<16xi32>
    %add3A_3 = vector.broadcast %mul3A_2 : i32 to vector<16xi32>
    %add3A_4 = arith.addi %add3A_3, %iota3A : vector<16xi32>
    %shift_right_logical3A = arith.constant 3 : i32
    %shift_right_logical3A_5 = vector.broadcast %shift_right_logical3A : i32 to vector<16xi32>
    %shift_right_logical3A_6 = arith.shrui %add3A_4, %shift_right_logical3A_5 : vector<16xi32>
    %mul3A_7 = arith.constant 32 : i32
    %mul3A_8 = vector.broadcast %mul3A_7 : i32 to vector<16xi32>
    %mul3A_9 = arith.muli %shift_right_logical3A_6, %mul3A_8 : vector<16xi32>
    %get3A = arith.constant 0 : index
    %get3A_10 = tpu.vector_load %arg5[%get3A] {strides = array<i32>} : memref<16xi32, #tpu.memory_space<vmem>>, vector<16xi32>,
    %get3A_11 = vector.shape_cast %get3A_10 : vector<16xi32> to vector<16xi32>
    %add3A_12 = arith.addi %mul3A_9, %get3A_11 : vector<16xi32>
    %shift_right_logical3A_13 = arith.constant 3 : i32
    %shift_right_logical3A_14 = vector.broadcast %shift_right_logical3A_13 : i32 to vector<16xi32>
    %shift_right_logical3A_15 = arith.shrui %iota3A, %shift_right_logical3A_14 : vector<16xi32>
    %add3A_16 = arith.constant 0 : i32
    %add3A_17 = vector.broadcast %add3A_16 : i32 to vector<16xi32>
    %add3A_18 = arith.addi %add3A_17, %shift_right_logical3A_15 : vector<16xi32>
    %lt3A = arith.constant 0 : i32
    %lt3A_19 = vector.broadcast %lt3A : i32 to vector<16xi32>
    %lt3A_20 = arith.cmpi slt, %add3A_18, %lt3A_19 : vector<16xi32>
    %add3A_21 = arith.constant 16 : i32
    %add3A_22 = vector.broadcast %add3A_21 : i32 to vector<16xi32>
    %add3A_23 = arith.addi %add3A_18, %add3A_22 : vector<16xi32>
    %select_n3A = arith.select %lt3A_20, %add3A_23, %add3A_18 : vector<16xi1>, vector<16xi32>
    %broadcast_in_dim3A = vector.shape_cast %select_n3A : vector<16xi32> to vector<16x1xi32>
    %gather3A = vector.shape_cast %broadcast_in_dim3A : vector<16x1xi32> to vector<16xi32>
    %gather3A_24 = tpu.dynamic_gather %add3A_12[%gather3A] in [0] : vector<16xi32>, vector<16xi32> -> vector<16xi32>
    %swap3A = arith.constant 0 : index
    %swap3A_25 = tpu.vector_load %arg6[%swap3A] {strides = array<i32>} : memref<128xi32, #tpu.memory_space<vmem>>, vector<16xi32>,
    %swap3A_26 = vector.shape_cast %swap3A_25 : vector<16xi32> to vector<16xi32>
    %swap3A_27 = vector.shape_cast %gather3A_24 : vector<16xi32> to vector<16xi32>
    tpu.vector_store %arg6[%swap3A], %swap3A_27 {strides = array<i32>} : memref<128xi32, #tpu.memory_space<vmem>>, vector<16xi32>,
    %add3A_28 = arith.constant 2 : i32
    %add3A_29 = vector.broadcast %add3A_28 : i32 to vector<16xi32>
    %add3A_30 = arith.addi %add3A_29, %shift_right_logical3A_15 : vector<16xi32>
    %lt3A_31 = arith.constant 0 : i32
    %lt3A_32 = vector.broadcast %lt3A_31 : i32 to vector<16xi32>
    %lt3A_33 = arith.cmpi slt, %add3A_30, %lt3A_32 : vector<16xi32>
    %add3A_34 = arith.constant 16 : i32
    %add3A_35 = vector.broadcast %add3A_34 : i32 to vector<16xi32>
    %add3A_36 = arith.addi %add3A_30, %add3A_35 : vector<16xi32>
    %select_n3A_37 = arith.select %lt3A_33, %add3A_36, %add3A_30 : vector<16xi1>, vector<16xi32>
    %broadcast_in_dim3A_38 = vector.shape_cast %select_n3A_37 : vector<16xi32> to vector<16x1xi32>
    %gather3A_39 = vector.shape_cast %broadcast_in_dim3A_38 : vector<16x1xi32> to vector<16xi32>
    %gather3A_40 = tpu.dynamic_gather %add3A_12[%gather3A_39] in [0] : vector<16xi32>, vector<16xi32> -> vector<16xi32>
    %swap3A_41 = arith.constant 16 : index
    %swap3A_42 = tpu.vector_load %arg6[%swap3A_41] {strides = array<i32>} : memref<128xi32, #tpu.memory_space<vmem>>, vector<16xi32>,
    %swap3A_43 = vector.shape_cast %swap3A_42 : vector<16xi32> to vector<16xi32>
    %swap3A_44 = vector.shape_cast %gather3A_40 : vector<16xi32> to vector<16xi32>
    tpu.vector_store %arg6[%swap3A_41], %swap3A_44 {strides = array<i32>} : memref<128xi32, #tpu.memory_space<vmem>>, vector<16xi32>,
    %add3A_45 = arith.constant 4 : i32
    %add3A_46 = vector.broadcast %add3A_45 : i32 to vector<16xi32>
    %add3A_47 = arith.addi %add3A_46, %shift_right_logical3A_15 : vector<16xi32>
    %lt3A_48 = arith.constant 0 : i32
    %lt3A_49 = vector.broadcast %lt3A_48 : i32 to vector<16xi32>
    %lt3A_50 = arith.cmpi slt, %add3A_47, %lt3A_49 : vector<16xi32>
    %add3A_51 = arith.constant 16 : i32
    %add3A_52 = vector.broadcast %add3A_51 : i32 to vector<16xi32>
    %add3A_53 = arith.addi %add3A_47, %add3A_52 : vector<16xi32>
    %select_n3A_54 = arith.select %lt3A_50, %add3A_53, %add3A_47 : vector<16xi1>, vector<16xi32>
    %broadcast_in_dim3A_55 = vector.shape_cast %select_n3A_54 : vector<16xi32> to vector<16x1xi32>
    %gather3A_56 = vector.shape_cast %broadcast_in_dim3A_55 : vector<16x1xi32> to vector<16xi32>
    %gather3A_57 = tpu.dynamic_gather %add3A_12[%gather3A_56] in [0] : vector<16xi32>, vector<16xi32> -> vector<16xi32>
    %swap3A_58 = arith.constant 32 : index
    %swap3A_59 = tpu.vector_load %arg6[%swap3A_58] {strides = array<i32>} : memref<128xi32, #tpu.memory_space<vmem>>, vector<16xi32>,
    %swap3A_60 = vector.shape_cast %swap3A_59 : vector<16xi32> to vector<16xi32>
    %swap3A_61 = vector.shape_cast %gather3A_57 : vector<16xi32> to vector<16xi32>
    tpu.vector_store %arg6[%swap3A_58], %swap3A_61 {strides = array<i32>} : memref<128xi32, #tpu.memory_space<vmem>>, vector<16xi32>,
    %add3A_62 = arith.constant 6 : i32
    %add3A_63 = vector.broadcast %add3A_62 : i32 to vector<16xi32>
    %add3A_64 = arith.addi %add3A_63, %shift_right_logical3A_15 : vector<16xi32>
    %lt3A_65 = arith.constant 0 : i32
    %lt3A_66 = vector.broadcast %lt3A_65 : i32 to vector<16xi32>
    %lt3A_67 = arith.cmpi slt, %add3A_64, %lt3A_66 : vector<16xi32>
    %add3A_68 = arith.constant 16 : i32
    %add3A_69 = vector.broadcast %add3A_68 : i32 to vector<16xi32>
    %add3A_70 = arith.addi %add3A_64, %add3A_69 : vector<16xi32>
    %select_n3A_71 = arith.select %lt3A_67, %add3A_70, %add3A_64 : vector<16xi1>, vector<16xi32>
    %broadcast_in_dim3A_72 = vector.shape_cast %select_n3A_71 : vector<16xi32> to vector<16x1xi32>
    %gather3A_73 = vector.shape_cast %broadcast_in_dim3A_72 : vector<16x1xi32> to vector<16xi32>
    %gather3A_74 = tpu.dynamic_gather %add3A_12[%gather3A_73] in [0] : vector<16xi32>, vector<16xi32> -> vector<16xi32>
    %swap3A_75 = arith.constant 48 : index
    %swap3A_76 = tpu.vector_load %arg6[%swap3A_75] {strides = array<i32>} : memref<128xi32, #tpu.memory_space<vmem>>, vector<16xi32>,
    %swap3A_77 = vector.shape_cast %swap3A_76 : vector<16xi32> to vector<16xi32>
    %swap3A_78 = vector.shape_cast %gather3A_74 : vector<16xi32> to vector<16xi32>
    tpu.vector_store %arg6[%swap3A_75], %swap3A_78 {strides = array<i32>} : memref<128xi32, #tpu.memory_space<vmem>>, vector<16xi32>,
    %add3A_79 = arith.constant 8 : i32
    %add3A_80 = vector.broadcast %add3A_79 : i32 to vector<16xi32>
    %add3A_81 = arith.addi %add3A_80, %shift_right_logical3A_15 : vector<16xi32>
    %lt3A_82 = arith.constant 0 : i32
    %lt3A_83 = vector.broadcast %lt3A_82 : i32 to vector<16xi32>
    %lt3A_84 = arith.cmpi slt, %add3A_81, %lt3A_83 : vector<16xi32>
    %add3A_85 = arith.constant 16 : i32
    %add3A_86 = vector.broadcast %add3A_85 : i32 to vector<16xi32>
    %add3A_87 = arith.addi %add3A_81, %add3A_86 : vector<16xi32>
    %select_n3A_88 = arith.select %lt3A_84, %add3A_87, %add3A_81 : vector<16xi1>, vector<16xi32>
    %broadcast_in_dim3A_89 = vector.shape_cast %select_n3A_88 : vector<16xi32> to vector<16x1xi32>
    %gather3A_90 = vector.shape_cast %broadcast_in_dim3A_89 : vector<16x1xi32> to vector<16xi32>
    %gather3A_91 = tpu.dynamic_gather %add3A_12[%gather3A_90] in [0] : vector<16xi32>, vector<16xi32> -> vector<16xi32>
    %swap3A_92 = arith.constant 64 : index
    %swap3A_93 = tpu.vector_load %arg6[%swap3A_92] {strides = array<i32>} : memref<128xi32, #tpu.memory_space<vmem>>, vector<16xi32>,
    %swap3A_94 = vector.shape_cast %swap3A_93 : vector<16xi32> to vector<16xi32>
    %swap3A_95 = vector.shape_cast %gather3A_91 : vector<16xi32> to vector<16xi32>
    tpu.vector_store %arg6[%swap3A_92], %swap3A_95 {strides = array<i32>} : memref<128xi32, #tpu.memory_space<vmem>>, vector<16xi32>,
    %add3A_96 = arith.constant 10 : i32
    %add3A_97 = vector.broadcast %add3A_96 : i32 to vector<16xi32>
    %add3A_98 = arith.addi %add3A_97, %shift_right_logical3A_15 : vector<16xi32>
    %lt3A_99 = arith.constant 0 : i32
    %lt3A_100 = vector.broadcast %lt3A_99 : i32 to vector<16xi32>
    %lt3A_101 = arith.cmpi slt, %add3A_98, %lt3A_100 : vector<16xi32>
    %add3A_102 = arith.constant 16 : i32
    %add3A_103 = vector.broadcast %add3A_102 : i32 to vector<16xi32>
    %add3A_104 = arith.addi %add3A_98, %add3A_103 : vector<16xi32>
    %select_n3A_105 = arith.select %lt3A_101, %add3A_104, %add3A_98 : vector<16xi1>, vector<16xi32>
    %broadcast_in_dim3A_106 = vector.shape_cast %select_n3A_105 : vector<16xi32> to vector<16x1xi32>
    %gather3A_107 = vector.shape_cast %broadcast_in_dim3A_106 : vector<16x1xi32> to vector<16xi32>
    %gather3A_108 = tpu.dynamic_gather %add3A_12[%gather3A_107] in [0] : vector<16xi32>, vector<16xi32> -> vector<16xi32>
    %swap3A_109 = arith.constant 80 : index
    %swap3A_110 = tpu.vector_load %arg6[%swap3A_109] {strides = array<i32>} : memref<128xi32, #tpu.memory_space<vmem>>, vector<16xi32>,
    %swap3A_111 = vector.shape_cast %swap3A_110 : vector<16xi32> to vector<16xi32>
    %swap3A_112 = vector.shape_cast %gather3A_108 : vector<16xi32> to vector<16xi32>
    tpu.vector_store %arg6[%swap3A_109], %swap3A_112 {strides = array<i32>} : memref<128xi32, #tpu.memory_space<vmem>>, vector<16xi32>,
    %add3A_113 = arith.constant 12 : i32
    %add3A_114 = vector.broadcast %add3A_113 : i32 to vector<16xi32>
    %add3A_115 = arith.addi %add3A_114, %shift_right_logical3A_15 : vector<16xi32>
    %lt3A_116 = arith.constant 0 : i32
    %lt3A_117 = vector.broadcast %lt3A_116 : i32 to vector<16xi32>
    %lt3A_118 = arith.cmpi slt, %add3A_115, %lt3A_117 : vector<16xi32>
    %add3A_119 = arith.constant 16 : i32
    %add3A_120 = vector.broadcast %add3A_119 : i32 to vector<16xi32>
    %add3A_121 = arith.addi %add3A_115, %add3A_120 : vector<16xi32>
    %select_n3A_122 = arith.select %lt3A_118, %add3A_121, %add3A_115 : vector<16xi1>, vector<16xi32>
    %broadcast_in_dim3A_123 = vector.shape_cast %select_n3A_122 : vector<16xi32> to vector<16x1xi32>
    %gather3A_124 = vector.shape_cast %broadcast_in_dim3A_123 : vector<16x1xi32> to vector<16xi32>
    %gather3A_125 = tpu.dynamic_gather %add3A_12[%gather3A_124] in [0] : vector<16xi32>, vector<16xi32> -> vector<16xi32>
    %swap3A_126 = arith.constant 96 : index
    %swap3A_127 = tpu.vector_load %arg6[%swap3A_126] {strides = array<i32>} : memref<128xi32, #tpu.memory_space<vmem>>, vector<16xi32>,
    %swap3A_128 = vector.shape_cast %swap3A_127 : vector<16xi32> to vector<16xi32>
    %swap3A_129 = vector.shape_cast %gather3A_125 : vector<16xi32> to vector<16xi32>
    tpu.vector_store %arg6[%swap3A_126], %swap3A_129 {strides = array<i32>} : memref<128xi32, #tpu.memory_space<vmem>>, vector<16xi32>,
    %add3A_130 = arith.constant 14 : i32
    %add3A_131 = vector.broadcast %add3A_130 : i32 to vector<16xi32>
    %add3A_132 = arith.addi %add3A_131, %shift_right_logical3A_15 : vector<16xi32>
    %lt3A_133 = arith.constant 0 : i32
    %lt3A_134 = vector.broadcast %lt3A_133 : i32 to vector<16xi32>
    %lt3A_135 = arith.cmpi slt, %add3A_132, %lt3A_134 : vector<16xi32>
    %add3A_136 = arith.constant 16 : i32
    %add3A_137 = vector.broadcast %add3A_136 : i32 to vector<16xi32>
    %add3A_138 = arith.addi %add3A_132, %add3A_137 : vector<16xi32>
    %select_n3A_139 = arith.select %lt3A_135, %add3A_138, %add3A_132 : vector<16xi1>, vector<16xi32>
    %broadcast_in_dim3A_140 = vector.shape_cast %select_n3A_139 : vector<16xi32> to vector<16x1xi32>
    %gather3A_141 = vector.shape_cast %broadcast_in_dim3A_140 : vector<16x1xi32> to vector<16xi32>
    %gather3A_142 = tpu.dynamic_gather %add3A_12[%gather3A_141] in [0] : vector<16xi32>, vector<16xi32> -> vector<16xi32>
    %swap3A_143 = arith.constant 112 : index
    %swap3A_144 = tpu.vector_load %arg6[%swap3A_143] {strides = array<i32>} : memref<128xi32, #tpu.memory_space<vmem>>, vector<16xi32>,
    %swap3A_145 = vector.shape_cast %swap3A_144 : vector<16xi32> to vector<16xi32>
    %swap3A_146 = vector.shape_cast %gather3A_142 : vector<16xi32> to vector<16xi32>
    tpu.vector_store %arg6[%swap3A_143], %swap3A_146 {strides = array<i32>} : memref<128xi32, #tpu.memory_space<vmem>>, vector<16xi32>,
    %dma_start3A = arith.constant 0 : i32
    %dma_start3A_147 = tpu.memref_slice %arg6[%dma_start3A] : memref<128xi32, #tpu.memory_space<vmem>> -> memref<1xi32, #tpu.memory_space<vmem>>
    %dma_start3A_148 = arith.constant 0 : i32
    %dma_start3A_149 = arith.constant 0 : i32
    %dma_start3A_150 = arith.constant 0 : i32
    %dma_start3A_151 = tpu.memref_slice %arg2[%dma_start3A_148, %dma_start3A_149, %dma_start3A_150] : memref<2048x8x2048xf32, #tpu.memory_space<hbm>> -> memref<2048x8x2048xf32, #tpu.memory_space<hbm>>
    tpu.enqueue_indirect_dma source(%dma_start3A_151 : memref<2048x8x2048xf32, #tpu.memory_space<hbm>>) target(%arg7 : memref<1x8x2048xf32, #tpu.memory_space<vmem>>) offsets(%dma_start3A_147 : memref<1xi32, #tpu.memory_space<vmem>>) semaphore(%arg12 : memref<!tpu.dma_semaphore, #tpu.memory_space<semaphore_mem>>)
    %dma_start3A_152 = arith.constant 8 : i32
    %dma_start3A_153 = tpu.memref_slice %arg6[%dma_start3A_152] : memref<128xi32, #tpu.memory_space<vmem>> -> memref<1xi32, #tpu.memory_space<vmem>>
    %dma_start3A_154 = arith.constant 0 : i32
    %dma_start3A_155 = arith.constant 0 : i32
    %dma_start3A_156 = arith.constant 0 : i32
    %dma_start3A_157 = tpu.memref_slice %arg2[%dma_start3A_154, %dma_start3A_155, %dma_start3A_156] : memref<2048x8x2048xf32, #tpu.memory_space<hbm>> -> memref<2048x8x2048xf32, #tpu.memory_space<hbm>>
    tpu.enqueue_indirect_dma source(%dma_start3A_157 : memref<2048x8x2048xf32, #tpu.memory_space<hbm>>) target(%arg8 : memref<1x8x2048xf32, #tpu.memory_space<vmem>>) offsets(%dma_start3A_153 : memref<1xi32, #tpu.memory_space<vmem>>) semaphore(%arg13 : memref<!tpu.dma_semaphore, #tpu.memory_space<semaphore_mem>>)
    %dma_start3A_158 = arith.constant 16 : i32
    %dma_start3A_159 = tpu.memref_slice %arg6[%dma_start3A_158] : memref<128xi32, #tpu.memory_space<vmem>> -> memref<1xi32, #tpu.memory_space<vmem>>
    %dma_start3A_160 = arith.constant 0 : i32
    %dma_start3A_161 = arith.constant 0 : i32
    %dma_start3A_162 = arith.constant 0 : i32
    %dma_start3A_163 = tpu.memref_slice %arg2[%dma_start3A_160, %dma_start3A_161, %dma_start3A_162] : memref<2048x8x2048xf32, #tpu.memory_space<hbm>> -> memref<2048x8x2048xf32, #tpu.memory_space<hbm>>
    tpu.enqueue_indirect_dma source(%dma_start3A_163 : memref<2048x8x2048xf32, #tpu.memory_space<hbm>>) target(%arg9 : memref<1x8x2048xf32, #tpu.memory_space<vmem>>) offsets(%dma_start3A_159 : memref<1xi32, #tpu.memory_space<vmem>>) semaphore(%arg14 : memref<!tpu.dma_semaphore, #tpu.memory_space<semaphore_mem>>)
    %dma_start3A_164 = arith.constant 24 : i32
    %dma_start3A_165 = tpu.memref_slice %arg6[%dma_start3A_164] : memref<128xi32, #tpu.memory_space<vmem>> -> memref<1xi32, #tpu.memory_space<vmem>>
    %dma_start3A_166 = arith.constant 0 : i32
    %dma_start3A_167 = arith.constant 0 : i32
    %dma_start3A_168 = arith.constant 0 : i32
    %dma_start3A_169 = tpu.memref_slice %arg2[%dma_start3A_166, %dma_start3A_167, %dma_start3A_168] : memref<2048x8x2048xf32, #tpu.memory_space<hbm>> -> memref<2048x8x2048xf32, #tpu.memory_space<hbm>>
    tpu.enqueue_indirect_dma source(%dma_start3A_169 : memref<2048x8x2048xf32, #tpu.memory_space<hbm>>) target(%arg10 : memref<1x8x2048xf32, #tpu.memory_space<vmem>>) offsets(%dma_start3A_165 : memref<1xi32, #tpu.memory_space<vmem>>) semaphore(%arg15 : memref<!tpu.dma_semaphore, #tpu.memory_space<semaphore_mem>>)
    %dma_start3A_170 = arith.constant 32 : i32
    %dma_start3A_171 = tpu.memref_slice %arg6[%dma_start3A_170] : memref<128xi32, #tpu.memory_space<vmem>> -> memref<1xi32, #tpu.memory_space<vmem>>
    %dma_start3A_172 = arith.constant 0 : i32
    %dma_start3A_173 = arith.constant 0 : i32
    %dma_start3A_174 = arith.constant 0 : i32
    %dma_start3A_175 = tpu.memref_slice %arg2[%dma_start3A_172, %dma_start3A_173, %dma_start3A_174] : memref<2048x8x2048xf32, #tpu.memory_space<hbm>> -> memref<2048x8x2048xf32, #tpu.memory_space<hbm>>
    tpu.enqueue_indirect_dma source(%dma_start3A_175 : memref<2048x8x2048xf32, #tpu.memory_space<hbm>>) target(%arg11 : memref<1x8x2048xf32, #tpu.memory_space<vmem>>) offsets(%dma_start3A_171 : memref<1xi32, #tpu.memory_space<vmem>>) semaphore(%arg16 : memref<!tpu.dma_semaphore, #tpu.memory_space<semaphore_mem>>)
    %dma_wait3A = arith.constant 0 : i32
    %dma_wait3A_176 = tpu.memref_slice %arg6[%dma_wait3A] : memref<128xi32, #tpu.memory_space<vmem>> -> memref<1xi32, #tpu.memory_space<vmem>>
    %dma_wait3A_177 = arith.constant 0 : i32
    %dma_wait3A_178 = arith.constant 0 : i32
    %dma_wait3A_179 = arith.constant 0 : i32
    %dma_wait3A_180 = tpu.memref_slice %arg2[%dma_wait3A_177, %dma_wait3A_178, %dma_wait3A_179] : memref<2048x8x2048xf32, #tpu.memory_space<hbm>> -> memref<2048x8x2048xf32, #tpu.memory_space<hbm>>
    tpu.wait_indirect_dma semaphore(%arg12 : memref<!tpu.dma_semaphore, #tpu.memory_space<semaphore_mem>>) src(%dma_wait3A_180 : memref<2048x8x2048xf32, #tpu.memory_space<hbm>>) dst(%arg7 : memref<1x8x2048xf32, #tpu.memory_space<vmem>>)
    %add3A_181 = arith.constant 0 : i32
    %add3A_182 = arith.addi %mul3A_2, %add3A_181 : i32
    %dma_start3A_183 = arith.constant 0 : i32
    %dma_start3A_184 = arith.constant 0 : i32
    %dma_start3A_185 = tpu.memref_slice %arg4[%add3A_182, %dma_start3A_183, %dma_start3A_184] : memref<512x8x2048xf32, #tpu.memory_space<hbm>> -> memref<1x8x2048xf32, #tpu.memory_space<hbm>>
    %dma_start3A_186 = arith.constant 0 : i32
    %dma_start3A_187 = arith.constant 0 : i32
    %dma_start3A_188 = tpu.memref_slice %arg4[%add3A_182, %dma_start3A_186, %dma_start3A_187] : memref<512x8x2048xf32, #tpu.memory_space<hbm>> -> memref<1x8x2048xf32, #tpu.memory_space<hbm>>
    tpu.enqueue_dma source(%arg7 : memref<1x8x2048xf32, #tpu.memory_space<vmem>>) target(%dma_start3A_188 : memref<1x8x2048xf32, #tpu.memory_space<hbm>>) target_semaphore(%arg17 : memref<!tpu.dma_semaphore, #tpu.memory_space<semaphore_mem>>)
    %dma_wait3A_189 = arith.constant 0 : i32
    %dma_wait3A_190 = arith.constant 0 : i32
    %dma_wait3A_191 = tpu.memref_slice %arg4[%add3A_182, %dma_wait3A_189, %dma_wait3A_190] : memref<512x8x2048xf32, #tpu.memory_space<hbm>> -> memref<1x8x2048xf32, #tpu.memory_space<hbm>>
    %dma_wait3A_192 = arith.constant 0 : i32
    %dma_wait3A_193 = arith.constant 0 : i32
    %dma_wait3A_194 = tpu.memref_slice %arg4[%add3A_182, %dma_wait3A_192, %dma_wait3A_193] : memref<512x8x2048xf32, #tpu.memory_space<hbm>> -> memref<1x8x2048xf32, #tpu.memory_space<hbm>>
    tpu.wait_dma2 semaphore(%arg17 : memref<!tpu.dma_semaphore, #tpu.memory_space<semaphore_mem>>) src(%arg7 : memref<1x8x2048xf32, #tpu.memory_space<vmem>>) dst(%dma_wait3A_194 : memref<1x8x2048xf32, #tpu.memory_space<hbm>>)
    %dma_start3A_195 = arith.constant 40 : i32
    %dma_start3A_196 = tpu.memref_slice %arg6[%dma_start3A_195] : memref<128xi32, #tpu.memory_space<vmem>> -> memref<1xi32, #tpu.memory_space<vmem>>
    %dma_start3A_197 = arith.constant 0 : i32
    %dma_start3A_198 = arith.constant 0 : i32
    %dma_start3A_199 = arith.constant 0 : i32
    %dma_start3A_200 = tpu.memref_slice %arg2[%dma_start3A_197, %dma_start3A_198, %dma_start3A_199] : memref<2048x8x2048xf32, #tpu.memory_space<hbm>> -> memref<2048x8x2048xf32, #tpu.memory_space<hbm>>
    tpu.enqueue_indirect_dma source(%dma_start3A_200 : memref<2048x8x2048xf32, #tpu.memory_space<hbm>>) target(%arg7 : memref<1x8x2048xf32, #tpu.memory_space<vmem>>) offsets(%dma_start3A_196 : memref<1xi32, #tpu.memory_space<vmem>>) semaphore(%arg12 : memref<!tpu.dma_semaphore, #tpu.memory_space<semaphore_mem>>)
    %dma_wait3A_201 = arith.constant 8 : i32
    %dma_wait3A_202 = tpu.memref_slice %arg6[%dma_wait3A_201] : memref<128xi32, #tpu.memory_space<vmem>> -> memref<1xi32, #tpu.memory_space<vmem>>
    %dma_wait3A_203 = arith.constant 0 : i32
    %dma_wait3A_204 = arith.constant 0 : i32
    %dma_wait3A_205 = arith.constant 0 : i32
    %dma_wait3A_206 = tpu.memref_slice %arg2[%dma_wait3A_203, %dma_wait3A_204, %dma_wait3A_205] : memref<2048x8x2048xf32, #tpu.memory_space<hbm>> -> memref<2048x8x2048xf32, #tpu.memory_space<hbm>>
    tpu.wait_indirect_dma semaphore(%arg13 : memref<!tpu.dma_semaphore, #tpu.memory_space<semaphore_mem>>) src(%dma_wait3A_206 : memref<2048x8x2048xf32, #tpu.memory_space<hbm>>) dst(%arg8 : memref<1x8x2048xf32, #tpu.memory_space<vmem>>)
    %add3A_207 = arith.constant 1 : i32
    %add3A_208 = arith.addi %mul3A_2, %add3A_207 : i32
    %dma_start3A_209 = arith.constant 0 : i32
    %dma_start3A_210 = arith.constant 0 : i32
    %dma_start3A_211 = tpu.memref_slice %arg4[%add3A_208, %dma_start3A_209, %dma_start3A_210] : memref<512x8x2048xf32, #tpu.memory_space<hbm>> -> memref<1x8x2048xf32, #tpu.memory_space<hbm>>
    %dma_start3A_212 = arith.constant 0 : i32
    %dma_start3A_213 = arith.constant 0 : i32
    %dma_start3A_214 = tpu.memref_slice %arg4[%add3A_208, %dma_start3A_212, %dma_start3A_213] : memref<512x8x2048xf32, #tpu.memory_space<hbm>> -> memref<1x8x2048xf32, #tpu.memory_space<hbm>>
    tpu.enqueue_dma source(%arg8 : memref<1x8x2048xf32, #tpu.memory_space<vmem>>) target(%dma_start3A_214 : memref<1x8x2048xf32, #tpu.memory_space<hbm>>) target_semaphore(%arg18 : memref<!tpu.dma_semaphore, #tpu.memory_space<semaphore_mem>>)
    %dma_wait3A_215 = arith.constant 0 : i32
    %dma_wait3A_216 = arith.constant 0 : i32
    %dma_wait3A_217 = tpu.memref_slice %arg4[%add3A_208, %dma_wait3A_215, %dma_wait3A_216] : memref<512x8x2048xf32, #tpu.memory_space<hbm>> -> memref<1x8x2048xf32, #tpu.memory_space<hbm>>
    %dma_wait3A_218 = arith.constant 0 : i32
    %dma_wait3A_219 = arith.constant 0 : i32
    %dma_wait3A_220 = tpu.memref_slice %arg4[%add3A_208, %dma_wait3A_218, %dma_wait3A_219] : memref<512x8x2048xf32, #tpu.memory_space<hbm>> -> memref<1x8x2048xf32, #tpu.memory_space<hbm>>
    tpu.wait_dma2 semaphore(%arg18 : memref<!tpu.dma_semaphore, #tpu.memory_space<semaphore_mem>>) src(%arg8 : memref<1x8x2048xf32, #tpu.memory_space<vmem>>) dst(%dma_wait3A_220 : memref<1x8x2048xf32, #tpu.memory_space<hbm>>)
    %dma_start3A_221 = arith.constant 48 : i32
    %dma_start3A_222 = tpu.memref_slice %arg6[%dma_start3A_221] : memref<128xi32, #tpu.memory_space<vmem>> -> memref<1xi32, #tpu.memory_space<vmem>>
    %dma_start3A_223 = arith.constant 0 : i32
    %dma_start3A_224 = arith.constant 0 : i32
    %dma_start3A_225 = arith.constant 0 : i32
    %dma_start3A_226 = tpu.memref_slice %arg2[%dma_start3A_223, %dma_start3A_224, %dma_start3A_225] : memref<2048x8x2048xf32, #tpu.memory_space<hbm>> -> memref<2048x8x2048xf32, #tpu.memory_space<hbm>>
    tpu.enqueue_indirect_dma source(%dma_start3A_226 : memref<2048x8x2048xf32, #tpu.memory_space<hbm>>) target(%arg8 : memref<1x8x2048xf32, #tpu.memory_space<vmem>>) offsets(%dma_start3A_222 : memref<1xi32, #tpu.memory_space<vmem>>) semaphore(%arg13 : memref<!tpu.dma_semaphore, #tpu.memory_space<semaphore_mem>>)
    %dma_wait3A_227 = arith.constant 16 : i32
    %dma_wait3A_228 = tpu.memref_slice %arg6[%dma_wait3A_227] : memref<128xi32, #tpu.memory_space<vmem>> -> memref<1xi32, #tpu.memory_space<vmem>>
    %dma_wait3A_229 = arith.constant 0 : i32
    %dma_wait3A_230 = arith.constant 0 : i32
    %dma_wait3A_231 = arith.constant 0 : i32
    %dma_wait3A_232 = tpu.memref_slice %arg2[%dma_wait3A_229, %dma_wait3A_230, %dma_wait3A_231] : memref<2048x8x2048xf32, #tpu.memory_space<hbm>> -> memref<2048x8x2048xf32, #tpu.memory_space<hbm>>
    tpu.wait_indirect_dma semaphore(%arg14 : memref<!tpu.dma_semaphore, #tpu.memory_space<semaphore_mem>>) src(%dma_wait3A_232 : memref<2048x8x2048xf32, #tpu.memory_space<hbm>>) dst(%arg9 : memref<1x8x2048xf32, #tpu.memory_space<vmem>>)
    %add3A_233 = arith.constant 2 : i32
    %add3A_234 = arith.addi %mul3A_2, %add3A_233 : i32
    %dma_start3A_235 = arith.constant 0 : i32
    %dma_start3A_236 = arith.constant 0 : i32
    %dma_start3A_237 = tpu.memref_slice %arg4[%add3A_234, %dma_start3A_235, %dma_start3A_236] : memref<512x8x2048xf32, #tpu.memory_space<hbm>> -> memref<1x8x2048xf32, #tpu.memory_space<hbm>>
    %dma_start3A_238 = arith.constant 0 : i32
    %dma_start3A_239 = arith.constant 0 : i32
    %dma_start3A_240 = tpu.memref_slice %arg4[%add3A_234, %dma_start3A_238, %dma_start3A_239] : memref<512x8x2048xf32, #tpu.memory_space<hbm>> -> memref<1x8x2048xf32, #tpu.memory_space<hbm>>
    tpu.enqueue_dma source(%arg9 : memref<1x8x2048xf32, #tpu.memory_space<vmem>>) target(%dma_start3A_240 : memref<1x8x2048xf32, #tpu.memory_space<hbm>>) target_semaphore(%arg19 : memref<!tpu.dma_semaphore, #tpu.memory_space<semaphore_mem>>)
    %dma_wait3A_241 = arith.constant 0 : i32
    %dma_wait3A_242 = arith.constant 0 : i32
    %dma_wait3A_243 = tpu.memref_slice %arg4[%add3A_234, %dma_wait3A_241, %dma_wait3A_242] : memref<512x8x2048xf32, #tpu.memory_space<hbm>> -> memref<1x8x2048xf32, #tpu.memory_space<hbm>>
    %dma_wait3A_244 = arith.constant 0 : i32
    %dma_wait3A_245 = arith.constant 0 : i32
    %dma_wait3A_246 = tpu.memref_slice %arg4[%add3A_234, %dma_wait3A_244, %dma_wait3A_245] : memref<512x8x2048xf32, #tpu.memory_space<hbm>> -> memref<1x8x2048xf32, #tpu.memory_space<hbm>>
    tpu.wait_dma2 semaphore(%arg19 : memref<!tpu.dma_semaphore, #tpu.memory_space<semaphore_mem>>) src(%arg9 : memref<1x8x2048xf32, #tpu.memory_space<vmem>>) dst(%dma_wait3A_246 : memref<1x8x2048xf32, #tpu.memory_space<hbm>>)
    %dma_start3A_247 = arith.constant 56 : i32
    %dma_start3A_248 = tpu.memref_slice %arg6[%dma_start3A_247] : memref<128xi32, #tpu.memory_space<vmem>> -> memref<1xi32, #tpu.memory_space<vmem>>
    %dma_start3A_249 = arith.constant 0 : i32
    %dma_start3A_250 = arith.constant 0 : i32
    %dma_start3A_251 = arith.constant 0 : i32
    %dma_start3A_252 = tpu.memref_slice %arg2[%dma_start3A_249, %dma_start3A_250, %dma_start3A_251] : memref<2048x8x2048xf32, #tpu.memory_space<hbm>> -> memref<2048x8x2048xf32, #tpu.memory_space<hbm>>
    tpu.enqueue_indirect_dma source(%dma_start3A_252 : memref<2048x8x2048xf32, #tpu.memory_space<hbm>>) target(%arg9 : memref<1x8x2048xf32, #tpu.memory_space<vmem>>) offsets(%dma_start3A_248 : memref<1xi32, #tpu.memory_space<vmem>>) semaphore(%arg14 : memref<!tpu.dma_semaphore, #tpu.memory_space<semaphore_mem>>)
    %dma_wait3A_253 = arith.constant 24 : i32
    %dma_wait3A_254 = tpu.memref_slice %arg6[%dma_wait3A_253] : memref<128xi32, #tpu.memory_space<vmem>> -> memref<1xi32, #tpu.memory_space<vmem>>
    %dma_wait3A_255 = arith.constant 0 : i32
    %dma_wait3A_256 = arith.constant 0 : i32
    %dma_wait3A_257 = arith.constant 0 : i32
    %dma_wait3A_258 = tpu.memref_slice %arg2[%dma_wait3A_255, %dma_wait3A_256, %dma_wait3A_257] : memref<2048x8x2048xf32, #tpu.memory_space<hbm>> -> memref<2048x8x2048xf32, #tpu.memory_space<hbm>>
    tpu.wait_indirect_dma semaphore(%arg15 : memref<!tpu.dma_semaphore, #tpu.memory_space<semaphore_mem>>) src(%dma_wait3A_258 : memref<2048x8x2048xf32, #tpu.memory_space<hbm>>) dst(%arg10 : memref<1x8x2048xf32, #tpu.memory_space<vmem>>)
    %add3A_259 = arith.constant 3 : i32
    %add3A_260 = arith.addi %mul3A_2, %add3A_259 : i32
    %dma_start3A_261 = arith.constant 0 : i32
    %dma_start3A_262 = arith.constant 0 : i32
    %dma_start3A_263 = tpu.memref_slice %arg4[%add3A_260, %dma_start3A_261, %dma_start3A_262] : memref<512x8x2048xf32, #tpu.memory_space<hbm>> -> memref<1x8x2048xf32, #tpu.memory_space<hbm>>
    %dma_start3A_264 = arith.constant 0 : i32
    %dma_start3A_265 = arith.constant 0 : i32
    %dma_start3A_266 = tpu.memref_slice %arg4[%add3A_260, %dma_start3A_264, %dma_start3A_265] : memref<512x8x2048xf32, #tpu.memory_space<hbm>> -> memref<1x8x2048xf32, #tpu.memory_space<hbm>>
    tpu.enqueue_dma source(%arg10 : memref<1x8x2048xf32, #tpu.memory_space<vmem>>) target(%dma_start3A_266 : memref<1x8x2048xf32, #tpu.memory_space<hbm>>) target_semaphore(%arg20 : memref<!tpu.dma_semaphore, #tpu.memory_space<semaphore_mem>>)
    %dma_wait3A_267 = arith.constant 0 : i32
    %dma_wait3A_268 = arith.constant 0 : i32
    %dma_wait3A_269 = tpu.memref_slice %arg4[%add3A_260, %dma_wait3A_267, %dma_wait3A_268] : memref<512x8x2048xf32, #tpu.memory_space<hbm>> -> memref<1x8x2048xf32, #tpu.memory_space<hbm>>
    %dma_wait3A_270 = arith.constant 0 : i32
    %dma_wait3A_271 = arith.constant 0 : i32
    %dma_wait3A_272 = tpu.memref_slice %arg4[%add3A_260, %dma_wait3A_270, %dma_wait3A_271] : memref<512x8x2048xf32, #tpu.memory_space<hbm>> -> memref<1x8x2048xf32, #tpu.memory_space<hbm>>
    tpu.wait_dma2 semaphore(%arg20 : memref<!tpu.dma_semaphore, #tpu.memory_space<semaphore_mem>>) src(%arg10 : memref<1x8x2048xf32, #tpu.memory_space<vmem>>) dst(%dma_wait3A_272 : memref<1x8x2048xf32, #tpu.memory_space<hbm>>)
    %dma_start3A_273 = arith.constant 64 : i32
    %dma_start3A_274 = tpu.memref_slice %arg6[%dma_start3A_273] : memref<128xi32, #tpu.memory_space<vmem>> -> memref<1xi32, #tpu.memory_space<vmem>>
    %dma_start3A_275 = arith.constant 0 : i32
    %dma_start3A_276 = arith.constant 0 : i32
    %dma_start3A_277 = arith.constant 0 : i32
    %dma_start3A_278 = tpu.memref_slice %arg2[%dma_start3A_275, %dma_start3A_276, %dma_start3A_277] : memref<2048x8x2048xf32, #tpu.memory_space<hbm>> -> memref<2048x8x2048xf32, #tpu.memory_space<hbm>>
    tpu.enqueue_indirect_dma source(%dma_start3A_278 : memref<2048x8x2048xf32, #tpu.memory_space<hbm>>) target(%arg10 : memref<1x8x2048xf32, #tpu.memory_space<vmem>>) offsets(%dma_start3A_274 : memref<1xi32, #tpu.memory_space<vmem>>) semaphore(%arg15 : memref<!tpu.dma_semaphore, #tpu.memory_space<semaphore_mem>>)
    %dma_wait3A_279 = arith.constant 32 : i32
    %dma_wait3A_280 = tpu.memref_slice %arg6[%dma_wait3A_279] : memref<128xi32, #tpu.memory_space<vmem>> -> memref<1xi32, #tpu.memory_space<vmem>>
    %dma_wait3A_281 = arith.constant 0 : i32
    %dma_wait3A_282 = arith.constant 0 : i32
    %dma_wait3A_283 = arith.constant 0 : i32
    %dma_wait3A_284 = tpu.memref_slice %arg2[%dma_wait3A_281, %dma_wait3A_282, %dma_wait3A_283] : memref<2048x8x2048xf32, #tpu.memory_space<hbm>> -> memref<2048x8x2048xf32, #tpu.memory_space<hbm>>
    tpu.wait_indirect_dma semaphore(%arg16 : memref<!tpu.dma_semaphore, #tpu.memory_space<semaphore_mem>>) src(%dma_wait3A_284 : memref<2048x8x2048xf32, #tpu.memory_space<hbm>>) dst(%arg11 : memref<1x8x2048xf32, #tpu.memory_space<vmem>>)
    %add3A_285 = arith.constant 4 : i32
    %add3A_286 = arith.addi %mul3A_2, %add3A_285 : i32
    %dma_start3A_287 = arith.constant 0 : i32
    %dma_start3A_288 = arith.constant 0 : i32
    %dma_start3A_289 = tpu.memref_slice %arg4[%add3A_286, %dma_start3A_287, %dma_start3A_288] : memref<512x8x2048xf32, #tpu.memory_space<hbm>> -> memref<1x8x2048xf32, #tpu.memory_space<hbm>>
    %dma_start3A_290 = arith.constant 0 : i32
    %dma_start3A_291 = arith.constant 0 : i32
    %dma_start3A_292 = tpu.memref_slice %arg4[%add3A_286, %dma_start3A_290, %dma_start3A_291] : memref<512x8x2048xf32, #tpu.memory_space<hbm>> -> memref<1x8x2048xf32, #tpu.memory_space<hbm>>
    tpu.enqueue_dma source(%arg11 : memref<1x8x2048xf32, #tpu.memory_space<vmem>>) target(%dma_start3A_292 : memref<1x8x2048xf32, #tpu.memory_space<hbm>>) target_semaphore(%arg21 : memref<!tpu.dma_semaphore, #tpu.memory_space<semaphore_mem>>)
    %dma_wait3A_293 = arith.constant 0 : i32
    %dma_wait3A_294 = arith.constant 0 : i32
    %dma_wait3A_295 = tpu.memref_slice %arg4[%add3A_286, %dma_wait3A_293, %dma_wait3A_294] : memref<512x8x2048xf32, #tpu.memory_space<hbm>> -> memref<1x8x2048xf32, #tpu.memory_space<hbm>>
    %dma_wait3A_296 = arith.constant 0 : i32
    %dma_wait3A_297 = arith.constant 0 : i32
    %dma_wait3A_298 = tpu.memref_slice %arg4[%add3A_286, %dma_wait3A_296, %dma_wait3A_297] : memref<512x8x2048xf32, #tpu.memory_space<hbm>> -> memref<1x8x2048xf32, #tpu.memory_space<hbm>>
    tpu.wait_dma2 semaphore(%arg21 : memref<!tpu.dma_semaphore, #tpu.memory_space<semaphore_mem>>) src(%arg11 : memref<1x8x2048xf32, #tpu.memory_space<vmem>>) dst(%dma_wait3A_298 : memref<1x8x2048xf32, #tpu.memory_space<hbm>>)
    %dma_start3A_299 = arith.constant 72 : i32
    %dma_start3A_300 = tpu.memref_slice %arg6[%dma_start3A_299] : memref<128xi32, #tpu.memory_space<vmem>> -> memref<1xi32, #tpu.memory_space<vmem>>
    %dma_start3A_301 = arith.constant 0 : i32
    %dma_start3A_302 = arith.constant 0 : i32
    %dma_start3A_303 = arith.constant 0 : i32
    %dma_start3A_304 = tpu.memref_slice %arg2[%dma_start3A_301, %dma_start3A_302, %dma_start3A_303] : memref<2048x8x2048xf32, #tpu.memory_space<hbm>> -> memref<2048x8x2048xf32, #tpu.memory_space<hbm>>
    tpu.enqueue_indirect_dma source(%dma_start3A_304 : memref<2048x8x2048xf32, #tpu.memory_space<hbm>>) target(%arg11 : memref<1x8x2048xf32, #tpu.memory_space<vmem>>) offsets(%dma_start3A_300 : memref<1xi32, #tpu.memory_space<vmem>>) semaphore(%arg16 : memref<!tpu.dma_semaphore, #tpu.memory_space<semaphore_mem>>)
    %dma_wait3A_305 = arith.constant 40 : i32
    %dma_wait3A_306 = tpu.memref_slice %arg6[%dma_wait3A_305] : memref<128xi32, #tpu.memory_space<vmem>> -> memref<1xi32, #tpu.memory_space<vmem>>
    %dma_wait3A_307 = arith.constant 0 : i32
    %dma_wait3A_308 = arith.constant 0 : i32
    %dma_wait3A_309 = arith.constant 0 : i32
    %dma_wait3A_310 = tpu.memref_slice %arg2[%dma_wait3A_307, %dma_wait3A_308, %dma_wait3A_309] : memref<2048x8x2048xf32, #tpu.memory_space<hbm>> -> memref<2048x8x2048xf32, #tpu.memory_space<hbm>>
    tpu.wait_indirect_dma semaphore(%arg12 : memref<!tpu.dma_semaphore, #tpu.memory_space<semaphore_mem>>) src(%dma_wait3A_310 : memref<2048x8x2048xf32, #tpu.memory_space<hbm>>) dst(%arg7 : memref<1x8x2048xf32, #tpu.memory_space<vmem>>)
    %add3A_311 = arith.constant 5 : i32
    %add3A_312 = arith.addi %mul3A_2, %add3A_311 : i32
    %dma_start3A_313 = arith.constant 0 : i32
    %dma_start3A_314 = arith.constant 0 : i32
    %dma_start3A_315 = tpu.memref_slice %arg4[%add3A_312, %dma_start3A_313, %dma_start3A_314] : memref<512x8x2048xf32, #tpu.memory_space<hbm>> -> memref<1x8x2048xf32, #tpu.memory_space<hbm>>
    %dma_start3A_316 = arith.constant 0 : i32
    %dma_start3A_317 = arith.constant 0 : i32
    %dma_start3A_318 = tpu.memref_slice %arg4[%add3A_312, %dma_start3A_316, %dma_start3A_317] : memref<512x8x2048xf32, #tpu.memory_space<hbm>> -> memref<1x8x2048xf32, #tpu.memory_space<hbm>>
    tpu.enqueue_dma source(%arg7 : memref<1x8x2048xf32, #tpu.memory_space<vmem>>) target(%dma_start3A_318 : memref<1x8x2048xf32, #tpu.memory_space<hbm>>) target_semaphore(%arg17 : memref<!tpu.dma_semaphore, #tpu.memory_space<semaphore_mem>>)
    %dma_wait3A_319 = arith.constant 0 : i32
    %dma_wait3A_320 = arith.constant 0 : i32
    %dma_wait3A_321 = tpu.memref_slice %arg4[%add3A_312, %dma_wait3A_319, %dma_wait3A_320] : memref<512x8x2048xf32, #tpu.memory_space<hbm>> -> memref<1x8x2048xf32, #tpu.memory_space<hbm>>
    %dma_wait3A_322 = arith.constant 0 : i32
    %dma_wait3A_323 = arith.constant 0 : i32
    %dma_wait3A_324 = tpu.memref_slice %arg4[%add3A_312, %dma_wait3A_322, %dma_wait3A_323] : memref<512x8x2048xf32, #tpu.memory_space<hbm>> -> memref<1x8x2048xf32, #tpu.memory_space<hbm>>
    tpu.wait_dma2 semaphore(%arg17 : memref<!tpu.dma_semaphore, #tpu.memory_space<semaphore_mem>>) src(%arg7 : memref<1x8x2048xf32, #tpu.memory_space<vmem>>) dst(%dma_wait3A_324 : memref<1x8x2048xf32, #tpu.memory_space<hbm>>)
    %dma_start3A_325 = arith.constant 80 : i32
    %dma_start3A_326 = tpu.memref_slice %arg6[%dma_start3A_325] : memref<128xi32, #tpu.memory_space<vmem>> -> memref<1xi32, #tpu.memory_space<vmem>>
    %dma_start3A_327 = arith.constant 0 : i32
    %dma_start3A_328 = arith.constant 0 : i32
    %dma_start3A_329 = arith.constant 0 : i32
    %dma_start3A_330 = tpu.memref_slice %arg2[%dma_start3A_327, %dma_start3A_328, %dma_start3A_329] : memref<2048x8x2048xf32, #tpu.memory_space<hbm>> -> memref<2048x8x2048xf32, #tpu.memory_space<hbm>>
    tpu.enqueue_indirect_dma source(%dma_start3A_330 : memref<2048x8x2048xf32, #tpu.memory_space<hbm>>) target(%arg7 : memref<1x8x2048xf32, #tpu.memory_space<vmem>>) offsets(%dma_start3A_326 : memref<1xi32, #tpu.memory_space<vmem>>) semaphore(%arg12 : memref<!tpu.dma_semaphore, #tpu.memory_space<semaphore_mem>>)
    %dma_wait3A_331 = arith.constant 48 : i32
    %dma_wait3A_332 = tpu.memref_slice %arg6[%dma_wait3A_331] : memref<128xi32, #tpu.memory_space<vmem>> -> memref<1xi32, #tpu.memory_space<vmem>>
    %dma_wait3A_333 = arith.constant 0 : i32
    %dma_wait3A_334 = arith.constant 0 : i32
    %dma_wait3A_335 = arith.constant 0 : i32
    %dma_wait3A_336 = tpu.memref_slice %arg2[%dma_wait3A_333, %dma_wait3A_334, %dma_wait3A_335] : memref<2048x8x2048xf32, #tpu.memory_space<hbm>> -> memref<2048x8x2048xf32, #tpu.memory_space<hbm>>
    tpu.wait_indirect_dma semaphore(%arg13 : memref<!tpu.dma_semaphore, #tpu.memory_space<semaphore_mem>>) src(%dma_wait3A_336 : memref<2048x8x2048xf32, #tpu.memory_space<hbm>>) dst(%arg8 : memref<1x8x2048xf32, #tpu.memory_space<vmem>>)
    %add3A_337 = arith.constant 6 : i32
    %add3A_338 = arith.addi %mul3A_2, %add3A_337 : i32
    %dma_start3A_339 = arith.constant 0 : i32
    %dma_start3A_340 = arith.constant 0 : i32
    %dma_start3A_341 = tpu.memref_slice %arg4[%add3A_338, %dma_start3A_339, %dma_start3A_340] : memref<512x8x2048xf32, #tpu.memory_space<hbm>> -> memref<1x8x2048xf32, #tpu.memory_space<hbm>>
    %dma_start3A_342 = arith.constant 0 : i32
    %dma_start3A_343 = arith.constant 0 : i32
    %dma_start3A_344 = tpu.memref_slice %arg4[%add3A_338, %dma_start3A_342, %dma_start3A_343] : memref<512x8x2048xf32, #tpu.memory_space<hbm>> -> memref<1x8x2048xf32, #tpu.memory_space<hbm>>
    tpu.enqueue_dma source(%arg8 : memref<1x8x2048xf32, #tpu.memory_space<vmem>>) target(%dma_start3A_344 : memref<1x8x2048xf32, #tpu.memory_space<hbm>>) target_semaphore(%arg18 : memref<!tpu.dma_semaphore, #tpu.memory_space<semaphore_mem>>)
    %dma_wait3A_345 = arith.constant 0 : i32
    %dma_wait3A_346 = arith.constant 0 : i32
    %dma_wait3A_347 = tpu.memref_slice %arg4[%add3A_338, %dma_wait3A_345, %dma_wait3A_346] : memref<512x8x2048xf32, #tpu.memory_space<hbm>> -> memref<1x8x2048xf32, #tpu.memory_space<hbm>>
    %dma_wait3A_348 = arith.constant 0 : i32
    %dma_wait3A_349 = arith.constant 0 : i32
    %dma_wait3A_350 = tpu.memref_slice %arg4[%add3A_338, %dma_wait3A_348, %dma_wait3A_349] : memref<512x8x2048xf32, #tpu.memory_space<hbm>> -> memref<1x8x2048xf32, #tpu.memory_space<hbm>>
    tpu.wait_dma2 semaphore(%arg18 : memref<!tpu.dma_semaphore, #tpu.memory_space<semaphore_mem>>) src(%arg8 : memref<1x8x2048xf32, #tpu.memory_space<vmem>>) dst(%dma_wait3A_350 : memref<1x8x2048xf32, #tpu.memory_space<hbm>>)
    %dma_start3A_351 = arith.constant 88 : i32
    %dma_start3A_352 = tpu.memref_slice %arg6[%dma_start3A_351] : memref<128xi32, #tpu.memory_space<vmem>> -> memref<1xi32, #tpu.memory_space<vmem>>
    %dma_start3A_353 = arith.constant 0 : i32
    %dma_start3A_354 = arith.constant 0 : i32
    %dma_start3A_355 = arith.constant 0 : i32
    %dma_start3A_356 = tpu.memref_slice %arg2[%dma_start3A_353, %dma_start3A_354, %dma_start3A_355] : memref<2048x8x2048xf32, #tpu.memory_space<hbm>> -> memref<2048x8x2048xf32, #tpu.memory_space<hbm>>
    tpu.enqueue_indirect_dma source(%dma_start3A_356 : memref<2048x8x2048xf32, #tpu.memory_space<hbm>>) target(%arg8 : memref<1x8x2048xf32, #tpu.memory_space<vmem>>) offsets(%dma_start3A_352 : memref<1xi32, #tpu.memory_space<vmem>>) semaphore(%arg13 : memref<!tpu.dma_semaphore, #tpu.memory_space<semaphore_mem>>)
    %dma_wait3A_357 = arith.constant 56 : i32
    %dma_wait3A_358 = tpu.memref_slice %arg6[%dma_wait3A_357] : memref<128xi32, #tpu.memory_space<vmem>> -> memref<1xi32, #tpu.memory_space<vmem>>
    %dma_wait3A_359 = arith.constant 0 : i32
    %dma_wait3A_360 = arith.constant 0 : i32
    %dma_wait3A_361 = arith.constant 0 : i32
    %dma_wait3A_362 = tpu.memref_slice %arg2[%dma_wait3A_359, %dma_wait3A_360, %dma_wait3A_361] : memref<2048x8x2048xf32, #tpu.memory_space<hbm>> -> memref<2048x8x2048xf32, #tpu.memory_space<hbm>>
    tpu.wait_indirect_dma semaphore(%arg14 : memref<!tpu.dma_semaphore, #tpu.memory_space<semaphore_mem>>) src(%dma_wait3A_362 : memref<2048x8x2048xf32, #tpu.memory_space<hbm>>) dst(%arg9 : memref<1x8x2048xf32, #tpu.memory_space<vmem>>)
    %add3A_363 = arith.constant 7 : i32
    %add3A_364 = arith.addi %mul3A_2, %add3A_363 : i32
    %dma_start3A_365 = arith.constant 0 : i32
    %dma_start3A_366 = arith.constant 0 : i32
    %dma_start3A_367 = tpu.memref_slice %arg4[%add3A_364, %dma_start3A_365, %dma_start3A_366] : memref<512x8x2048xf32, #tpu.memory_space<hbm>> -> memref<1x8x2048xf32, #tpu.memory_space<hbm>>
    %dma_start3A_368 = arith.constant 0 : i32
    %dma_start3A_369 = arith.constant 0 : i32
    %dma_start3A_370 = tpu.memref_slice %arg4[%add3A_364, %dma_start3A_368, %dma_start3A_369] : memref<512x8x2048xf32, #tpu.memory_space<hbm>> -> memref<1x8x2048xf32, #tpu.memory_space<hbm>>
    tpu.enqueue_dma source(%arg9 : memref<1x8x2048xf32, #tpu.memory_space<vmem>>) target(%dma_start3A_370 : memref<1x8x2048xf32, #tpu.memory_space<hbm>>) target_semaphore(%arg19 : memref<!tpu.dma_semaphore, #tpu.memory_space<semaphore_mem>>)
    %dma_wait3A_371 = arith.constant 0 : i32
    %dma_wait3A_372 = arith.constant 0 : i32
    %dma_wait3A_373 = tpu.memref_slice %arg4[%add3A_364, %dma_wait3A_371, %dma_wait3A_372] : memref<512x8x2048xf32, #tpu.memory_space<hbm>> -> memref<1x8x2048xf32, #tpu.memory_space<hbm>>
    %dma_wait3A_374 = arith.constant 0 : i32
    %dma_wait3A_375 = arith.constant 0 : i32
    %dma_wait3A_376 = tpu.memref_slice %arg4[%add3A_364, %dma_wait3A_374, %dma_wait3A_375] : memref<512x8x2048xf32, #tpu.memory_space<hbm>> -> memref<1x8x2048xf32, #tpu.memory_space<hbm>>
    tpu.wait_dma2 semaphore(%arg19 : memref<!tpu.dma_semaphore, #tpu.memory_space<semaphore_mem>>) src(%arg9 : memref<1x8x2048xf32, #tpu.memory_space<vmem>>) dst(%dma_wait3A_376 : memref<1x8x2048xf32, #tpu.memory_space<hbm>>)
    %dma_start3A_377 = arith.constant 96 : i32
    %dma_start3A_378 = tpu.memref_slice %arg6[%dma_start3A_377] : memref<128xi32, #tpu.memory_space<vmem>> -> memref<1xi32, #tpu.memory_space<vmem>>
    %dma_start3A_379 = arith.constant 0 : i32
    %dma_start3A_380 = arith.constant 0 : i32
    %dma_start3A_381 = arith.constant 0 : i32
    %dma_start3A_382 = tpu.memref_slice %arg2[%dma_start3A_379, %dma_start3A_380, %dma_start3A_381] : memref<2048x8x2048xf32, #tpu.memory_space<hbm>> -> memref<2048x8x2048xf32, #tpu.memory_space<hbm>>
    tpu.enqueue_indirect_dma source(%dma_start3A_382 : memref<2048x8x2048xf32, #tpu.memory_space<hbm>>) target(%arg9 : memref<1x8x2048xf32, #tpu.memory_space<vmem>>) offsets(%dma_start3A_378 : memref<1xi32, #tpu.memory_space<vmem>>) semaphore(%arg14 : memref<!tpu.dma_semaphore, #tpu.memory_space<semaphore_mem>>)
    %dma_wait3A_383 = arith.constant 64 : i32
    %dma_wait3A_384 = tpu.memref_slice %arg6[%dma_wait3A_383] : memref<128xi32, #tpu.memory_space<vmem>> -> memref<1xi32, #tpu.memory_space<vmem>>
    %dma_wait3A_385 = arith.constant 0 : i32
    %dma_wait3A_386 = arith.constant 0 : i32
    %dma_wait3A_387 = arith.constant 0 : i32
    %dma_wait3A_388 = tpu.memref_slice %arg2[%dma_wait3A_385, %dma_wait3A_386, %dma_wait3A_387] : memref<2048x8x2048xf32, #tpu.memory_space<hbm>> -> memref<2048x8x2048xf32, #tpu.memory_space<hbm>>
    tpu.wait_indirect_dma semaphore(%arg15 : memref<!tpu.dma_semaphore, #tpu.memory_space<semaphore_mem>>) src(%dma_wait3A_388 : memref<2048x8x2048xf32, #tpu.memory_space<hbm>>) dst(%arg10 : memref<1x8x2048xf32, #tpu.memory_space<vmem>>)
    %add3A_389 = arith.constant 8 : i32
    %add3A_390 = arith.addi %mul3A_2, %add3A_389 : i32
    %dma_start3A_391 = arith.constant 0 : i32
    %dma_start3A_392 = arith.constant 0 : i32
    %dma_start3A_393 = tpu.memref_slice %arg4[%add3A_390, %dma_start3A_391, %dma_start3A_392] : memref<512x8x2048xf32, #tpu.memory_space<hbm>> -> memref<1x8x2048xf32, #tpu.memory_space<hbm>>
    %dma_start3A_394 = arith.constant 0 : i32
    %dma_start3A_395 = arith.constant 0 : i32
    %dma_start3A_396 = tpu.memref_slice %arg4[%add3A_390, %dma_start3A_394, %dma_start3A_395] : memref<512x8x2048xf32, #tpu.memory_space<hbm>> -> memref<1x8x2048xf32, #tpu.memory_space<hbm>>
    tpu.enqueue_dma source(%arg10 : memref<1x8x2048xf32, #tpu.memory_space<vmem>>) target(%dma_start3A_396 : memref<1x8x2048xf32, #tpu.memory_space<hbm>>) target_semaphore(%arg20 : memref<!tpu.dma_semaphore, #tpu.memory_space<semaphore_mem>>)
    %dma_wait3A_397 = arith.constant 0 : i32
    %dma_wait3A_398 = arith.constant 0 : i32
    %dma_wait3A_399 = tpu.memref_slice %arg4[%add3A_390, %dma_wait3A_397, %dma_wait3A_398] : memref<512x8x2048xf32, #tpu.memory_space<hbm>> -> memref<1x8x2048xf32, #tpu.memory_space<hbm>>
    %dma_wait3A_400 = arith.constant 0 : i32
    %dma_wait3A_401 = arith.constant 0 : i32
    %dma_wait3A_402 = tpu.memref_slice %arg4[%add3A_390, %dma_wait3A_400, %dma_wait3A_401] : memref<512x8x2048xf32, #tpu.memory_space<hbm>> -> memref<1x8x2048xf32, #tpu.memory_space<hbm>>
    tpu.wait_dma2 semaphore(%arg20 : memref<!tpu.dma_semaphore, #tpu.memory_space<semaphore_mem>>) src(%arg10 : memref<1x8x2048xf32, #tpu.memory_space<vmem>>) dst(%dma_wait3A_402 : memref<1x8x2048xf32, #tpu.memory_space<hbm>>)
    %dma_start3A_403 = arith.constant 104 : i32
    %dma_start3A_404 = tpu.memref_slice %arg6[%dma_start3A_403] : memref<128xi32, #tpu.memory_space<vmem>> -> memref<1xi32, #tpu.memory_space<vmem>>
    %dma_start3A_405 = arith.constant 0 : i32
    %dma_start3A_406 = arith.constant 0 : i32
    %dma_start3A_407 = arith.constant 0 : i32
    %dma_start3A_408 = tpu.memref_slice %arg2[%dma_start3A_405, %dma_start3A_406, %dma_start3A_407] : memref<2048x8x2048xf32, #tpu.memory_space<hbm>> -> memref<2048x8x2048xf32, #tpu.memory_space<hbm>>
    tpu.enqueue_indirect_dma source(%dma_start3A_408 : memref<2048x8x2048xf32, #tpu.memory_space<hbm>>) target(%arg10 : memref<1x8x2048xf32, #tpu.memory_space<vmem>>) offsets(%dma_start3A_404 : memref<1xi32, #tpu.memory_space<vmem>>) semaphore(%arg15 : memref<!tpu.dma_semaphore, #tpu.memory_space<semaphore_mem>>)
    %dma_wait3A_409 = arith.constant 72 : i32
    %dma_wait3A_410 = tpu.memref_slice %arg6[%dma_wait3A_409] : memref<128xi32, #tpu.memory_space<vmem>> -> memref<1xi32, #tpu.memory_space<vmem>>
    %dma_wait3A_411 = arith.constant 0 : i32
    %dma_wait3A_412 = arith.constant 0 : i32
    %dma_wait3A_413 = arith.constant 0 : i32
    %dma_wait3A_414 = tpu.memref_slice %arg2[%dma_wait3A_411, %dma_wait3A_412, %dma_wait3A_413] : memref<2048x8x2048xf32, #tpu.memory_space<hbm>> -> memref<2048x8x2048xf32, #tpu.memory_space<hbm>>
    tpu.wait_indirect_dma semaphore(%arg16 : memref<!tpu.dma_semaphore, #tpu.memory_space<semaphore_mem>>) src(%dma_wait3A_414 : memref<2048x8x2048xf32, #tpu.memory_space<hbm>>) dst(%arg11 : memref<1x8x2048xf32, #tpu.memory_space<vmem>>)
    %add3A_415 = arith.constant 9 : i32
    %add3A_416 = arith.addi %mul3A_2, %add3A_415 : i32
    %dma_start3A_417 = arith.constant 0 : i32
    %dma_start3A_418 = arith.constant 0 : i32
    %dma_start3A_419 = tpu.memref_slice %arg4[%add3A_416, %dma_start3A_417, %dma_start3A_418] : memref<512x8x2048xf32, #tpu.memory_space<hbm>> -> memref<1x8x2048xf32, #tpu.memory_space<hbm>>
    %dma_start3A_420 = arith.constant 0 : i32
    %dma_start3A_421 = arith.constant 0 : i32
    %dma_start3A_422 = tpu.memref_slice %arg4[%add3A_416, %dma_start3A_420, %dma_start3A_421] : memref<512x8x2048xf32, #tpu.memory_space<hbm>> -> memref<1x8x2048xf32, #tpu.memory_space<hbm>>
    tpu.enqueue_dma source(%arg11 : memref<1x8x2048xf32, #tpu.memory_space<vmem>>) target(%dma_start3A_422 : memref<1x8x2048xf32, #tpu.memory_space<hbm>>) target_semaphore(%arg21 : memref<!tpu.dma_semaphore, #tpu.memory_space<semaphore_mem>>)
    %dma_wait3A_423 = arith.constant 0 : i32
    %dma_wait3A_424 = arith.constant 0 : i32
    %dma_wait3A_425 = tpu.memref_slice %arg4[%add3A_416, %dma_wait3A_423, %dma_wait3A_424] : memref<512x8x2048xf32, #tpu.memory_space<hbm>> -> memref<1x8x2048xf32, #tpu.memory_space<hbm>>
    %dma_wait3A_426 = arith.constant 0 : i32
    %dma_wait3A_427 = arith.constant 0 : i32
    %dma_wait3A_428 = tpu.memref_slice %arg4[%add3A_416, %dma_wait3A_426, %dma_wait3A_427] : memref<512x8x2048xf32, #tpu.memory_space<hbm>> -> memref<1x8x2048xf32, #tpu.memory_space<hbm>>
    tpu.wait_dma2 semaphore(%arg21 : memref<!tpu.dma_semaphore, #tpu.memory_space<semaphore_mem>>) src(%arg11 : memref<1x8x2048xf32, #tpu.memory_space<vmem>>) dst(%dma_wait3A_428 : memref<1x8x2048xf32, #tpu.memory_space<hbm>>)
    %dma_start3A_429 = arith.constant 112 : i32
    %dma_start3A_430 = tpu.memref_slice %arg6[%dma_start3A_429] : memref<128xi32, #tpu.memory_space<vmem>> -> memref<1xi32, #tpu.memory_space<vmem>>
    %dma_start3A_431 = arith.constant 0 : i32
    %dma_start3A_432 = arith.constant 0 : i32
    %dma_start3A_433 = arith.constant 0 : i32
    %dma_start3A_434 = tpu.memref_slice %arg2[%dma_start3A_431, %dma_start3A_432, %dma_start3A_433] : memref<2048x8x2048xf32, #tpu.memory_space<hbm>> -> memref<2048x8x2048xf32, #tpu.memory_space<hbm>>
    tpu.enqueue_indirect_dma source(%dma_start3A_434 : memref<2048x8x2048xf32, #tpu.memory_space<hbm>>) target(%arg11 : memref<1x8x2048xf32, #tpu.memory_space<vmem>>) offsets(%dma_start3A_430 : memref<1xi32, #tpu.memory_space<vmem>>) semaphore(%arg16 : memref<!tpu.dma_semaphore, #tpu.memory_space<semaphore_mem>>)
    %dma_wait3A_435 = arith.constant 80 : i32
    %dma_wait3A_436 = tpu.memref_slice %arg6[%dma_wait3A_435] : memref<128xi32, #tpu.memory_space<vmem>> -> memref<1xi32, #tpu.memory_space<vmem>>
    %dma_wait3A_437 = arith.constant 0 : i32
    %dma_wait3A_438 = arith.constant 0 : i32
    %dma_wait3A_439 = arith.constant 0 : i32
    %dma_wait3A_440 = tpu.memref_slice %arg2[%dma_wait3A_437, %dma_wait3A_438, %dma_wait3A_439] : memref<2048x8x2048xf32, #tpu.memory_space<hbm>> -> memref<2048x8x2048xf32, #tpu.memory_space<hbm>>
    tpu.wait_indirect_dma semaphore(%arg12 : memref<!tpu.dma_semaphore, #tpu.memory_space<semaphore_mem>>) src(%dma_wait3A_440 : memref<2048x8x2048xf32, #tpu.memory_space<hbm>>) dst(%arg7 : memref<1x8x2048xf32, #tpu.memory_space<vmem>>)
    %add3A_441 = arith.constant 10 : i32
    %add3A_442 = arith.addi %mul3A_2, %add3A_441 : i32
    %dma_start3A_443 = arith.constant 0 : i32
    %dma_start3A_444 = arith.constant 0 : i32
    %dma_start3A_445 = tpu.memref_slice %arg4[%add3A_442, %dma_start3A_443, %dma_start3A_444] : memref<512x8x2048xf32, #tpu.memory_space<hbm>> -> memref<1x8x2048xf32, #tpu.memory_space<hbm>>
    %dma_start3A_446 = arith.constant 0 : i32
    %dma_start3A_447 = arith.constant 0 : i32
    %dma_start3A_448 = tpu.memref_slice %arg4[%add3A_442, %dma_start3A_446, %dma_start3A_447] : memref<512x8x2048xf32, #tpu.memory_space<hbm>> -> memref<1x8x2048xf32, #tpu.memory_space<hbm>>
    tpu.enqueue_dma source(%arg7 : memref<1x8x2048xf32, #tpu.memory_space<vmem>>) target(%dma_start3A_448 : memref<1x8x2048xf32, #tpu.memory_space<hbm>>) target_semaphore(%arg17 : memref<!tpu.dma_semaphore, #tpu.memory_space<semaphore_mem>>)
    %dma_wait3A_449 = arith.constant 0 : i32
    %dma_wait3A_450 = arith.constant 0 : i32
    %dma_wait3A_451 = tpu.memref_slice %arg4[%add3A_442, %dma_wait3A_449, %dma_wait3A_450] : memref<512x8x2048xf32, #tpu.memory_space<hbm>> -> memref<1x8x2048xf32, #tpu.memory_space<hbm>>
    %dma_wait3A_452 = arith.constant 0 : i32
    %dma_wait3A_453 = arith.constant 0 : i32
    %dma_wait3A_454 = tpu.memref_slice %arg4[%add3A_442, %dma_wait3A_452, %dma_wait3A_453] : memref<512x8x2048xf32, #tpu.memory_space<hbm>> -> memref<1x8x2048xf32, #tpu.memory_space<hbm>>
    tpu.wait_dma2 semaphore(%arg17 : memref<!tpu.dma_semaphore, #tpu.memory_space<semaphore_mem>>) src(%arg7 : memref<1x8x2048xf32, #tpu.memory_space<vmem>>) dst(%dma_wait3A_454 : memref<1x8x2048xf32, #tpu.memory_space<hbm>>)
    %dma_start3A_455 = arith.constant 120 : i32
    %dma_start3A_456 = tpu.memref_slice %arg6[%dma_start3A_455] : memref<128xi32, #tpu.memory_space<vmem>> -> memref<1xi32, #tpu.memory_space<vmem>>
    %dma_start3A_457 = arith.constant 0 : i32
    %dma_start3A_458 = arith.constant 0 : i32
    %dma_start3A_459 = arith.constant 0 : i32
    %dma_start3A_460 = tpu.memref_slice %arg2[%dma_start3A_457, %dma_start3A_458, %dma_start3A_459] : memref<2048x8x2048xf32, #tpu.memory_space<hbm>> -> memref<2048x8x2048xf32, #tpu.memory_space<hbm>>
    tpu.enqueue_indirect_dma source(%dma_start3A_460 : memref<2048x8x2048xf32, #tpu.memory_space<hbm>>) target(%arg7 : memref<1x8x2048xf32, #tpu.memory_space<vmem>>) offsets(%dma_start3A_456 : memref<1xi32, #tpu.memory_space<vmem>>) semaphore(%arg12 : memref<!tpu.dma_semaphore, #tpu.memory_space<semaphore_mem>>)
    %dma_wait3A_461 = arith.constant 88 : i32
    %dma_wait3A_462 = tpu.memref_slice %arg6[%dma_wait3A_461] : memref<128xi32, #tpu.memory_space<vmem>> -> memref<1xi32, #tpu.memory_space<vmem>>
    %dma_wait3A_463 = arith.constant 0 : i32
    %dma_wait3A_464 = arith.constant 0 : i32
    %dma_wait3A_465 = arith.constant 0 : i32
    %dma_wait3A_466 = tpu.memref_slice %arg2[%dma_wait3A_463, %dma_wait3A_464, %dma_wait3A_465] : memref<2048x8x2048xf32, #tpu.memory_space<hbm>> -> memref<2048x8x2048xf32, #tpu.memory_space<hbm>>
    tpu.wait_indirect_dma semaphore(%arg13 : memref<!tpu.dma_semaphore, #tpu.memory_space<semaphore_mem>>) src(%dma_wait3A_466 : memref<2048x8x2048xf32, #tpu.memory_space<hbm>>) dst(%arg8 : memref<1x8x2048xf32, #tpu.memory_space<vmem>>)
    %add3A_467 = arith.constant 11 : i32
    %add3A_468 = arith.addi %mul3A_2, %add3A_467 : i32
    %dma_start3A_469 = arith.constant 0 : i32
    %dma_start3A_470 = arith.constant 0 : i32
    %dma_start3A_471 = tpu.memref_slice %arg4[%add3A_468, %dma_start3A_469, %dma_start3A_470] : memref<512x8x2048xf32, #tpu.memory_space<hbm>> -> memref<1x8x2048xf32, #tpu.memory_space<hbm>>
    %dma_start3A_472 = arith.constant 0 : i32
    %dma_start3A_473 = arith.constant 0 : i32
    %dma_start3A_474 = tpu.memref_slice %arg4[%add3A_468, %dma_start3A_472, %dma_start3A_473] : memref<512x8x2048xf32, #tpu.memory_space<hbm>> -> memref<1x8x2048xf32, #tpu.memory_space<hbm>>
    tpu.enqueue_dma source(%arg8 : memref<1x8x2048xf32, #tpu.memory_space<vmem>>) target(%dma_start3A_474 : memref<1x8x2048xf32, #tpu.memory_space<hbm>>) target_semaphore(%arg18 : memref<!tpu.dma_semaphore, #tpu.memory_space<semaphore_mem>>)
    %dma_wait3A_475 = arith.constant 96 : i32
    %dma_wait3A_476 = tpu.memref_slice %arg6[%dma_wait3A_475] : memref<128xi32, #tpu.memory_space<vmem>> -> memref<1xi32, #tpu.memory_space<vmem>>
    %dma_wait3A_477 = arith.constant 0 : i32
    %dma_wait3A_478 = arith.constant 0 : i32
    %dma_wait3A_479 = arith.constant 0 : i32
    %dma_wait3A_480 = tpu.memref_slice %arg2[%dma_wait3A_477, %dma_wait3A_478, %dma_wait3A_479] : memref<2048x8x2048xf32, #tpu.memory_space<hbm>> -> memref<2048x8x2048xf32, #tpu.memory_space<hbm>>
    tpu.wait_indirect_dma semaphore(%arg14 : memref<!tpu.dma_semaphore, #tpu.memory_space<semaphore_mem>>) src(%dma_wait3A_480 : memref<2048x8x2048xf32, #tpu.memory_space<hbm>>) dst(%arg9 : memref<1x8x2048xf32, #tpu.memory_space<vmem>>)
    %add3A_481 = arith.constant 12 : i32
    %add3A_482 = arith.addi %mul3A_2, %add3A_481 : i32
    %dma_start3A_483 = arith.constant 0 : i32
    %dma_start3A_484 = arith.constant 0 : i32
    %dma_start3A_485 = tpu.memref_slice %arg4[%add3A_482, %dma_start3A_483, %dma_start3A_484] : memref<512x8x2048xf32, #tpu.memory_space<hbm>> -> memref<1x8x2048xf32, #tpu.memory_space<hbm>>
    %dma_start3A_486 = arith.constant 0 : i32
    %dma_start3A_487 = arith.constant 0 : i32
    %dma_start3A_488 = tpu.memref_slice %arg4[%add3A_482, %dma_start3A_486, %dma_start3A_487] : memref<512x8x2048xf32, #tpu.memory_space<hbm>> -> memref<1x8x2048xf32, #tpu.memory_space<hbm>>
    tpu.enqueue_dma source(%arg9 : memref<1x8x2048xf32, #tpu.memory_space<vmem>>) target(%dma_start3A_488 : memref<1x8x2048xf32, #tpu.memory_space<hbm>>) target_semaphore(%arg19 : memref<!tpu.dma_semaphore, #tpu.memory_space<semaphore_mem>>)
    %dma_wait3A_489 = arith.constant 104 : i32
    %dma_wait3A_490 = tpu.memref_slice %arg6[%dma_wait3A_489] : memref<128xi32, #tpu.memory_space<vmem>> -> memref<1xi32, #tpu.memory_space<vmem>>
    %dma_wait3A_491 = arith.constant 0 : i32
    %dma_wait3A_492 = arith.constant 0 : i32
    %dma_wait3A_493 = arith.constant 0 : i32
    %dma_wait3A_494 = tpu.memref_slice %arg2[%dma_wait3A_491, %dma_wait3A_492, %dma_wait3A_493] : memref<2048x8x2048xf32, #tpu.memory_space<hbm>> -> memref<2048x8x2048xf32, #tpu.memory_space<hbm>>
    tpu.wait_indirect_dma semaphore(%arg15 : memref<!tpu.dma_semaphore, #tpu.memory_space<semaphore_mem>>) src(%dma_wait3A_494 : memref<2048x8x2048xf32, #tpu.memory_space<hbm>>) dst(%arg10 : memref<1x8x2048xf32, #tpu.memory_space<vmem>>)
    %add3A_495 = arith.constant 13 : i32
    %add3A_496 = arith.addi %mul3A_2, %add3A_495 : i32
    %dma_start3A_497 = arith.constant 0 : i32
    %dma_start3A_498 = arith.constant 0 : i32
    %dma_start3A_499 = tpu.memref_slice %arg4[%add3A_496, %dma_start3A_497, %dma_start3A_498] : memref<512x8x2048xf32, #tpu.memory_space<hbm>> -> memref<1x8x2048xf32, #tpu.memory_space<hbm>>
    %dma_start3A_500 = arith.constant 0 : i32
    %dma_start3A_501 = arith.constant 0 : i32
    %dma_start3A_502 = tpu.memref_slice %arg4[%add3A_496, %dma_start3A_500, %dma_start3A_501] : memref<512x8x2048xf32, #tpu.memory_space<hbm>> -> memref<1x8x2048xf32, #tpu.memory_space<hbm>>
    tpu.enqueue_dma source(%arg10 : memref<1x8x2048xf32, #tpu.memory_space<vmem>>) target(%dma_start3A_502 : memref<1x8x2048xf32, #tpu.memory_space<hbm>>) target_semaphore(%arg20 : memref<!tpu.dma_semaphore, #tpu.memory_space<semaphore_mem>>)
    %dma_wait3A_503 = arith.constant 112 : i32
    %dma_wait3A_504 = tpu.memref_slice %arg6[%dma_wait3A_503] : memref<128xi32, #tpu.memory_space<vmem>> -> memref<1xi32, #tpu.memory_space<vmem>>
    %dma_wait3A_505 = arith.constant 0 : i32
    %dma_wait3A_506 = arith.constant 0 : i32
    %dma_wait3A_507 = arith.constant 0 : i32
    %dma_wait3A_508 = tpu.memref_slice %arg2[%dma_wait3A_505, %dma_wait3A_506, %dma_wait3A_507] : memref<2048x8x2048xf32, #tpu.memory_space<hbm>> -> memref<2048x8x2048xf32, #tpu.memory_space<hbm>>
    tpu.wait_indirect_dma semaphore(%arg16 : memref<!tpu.dma_semaphore, #tpu.memory_space<semaphore_mem>>) src(%dma_wait3A_508 : memref<2048x8x2048xf32, #tpu.memory_space<hbm>>) dst(%arg11 : memref<1x8x2048xf32, #tpu.memory_space<vmem>>)
    %add3A_509 = arith.constant 14 : i32
    %add3A_510 = arith.addi %mul3A_2, %add3A_509 : i32
    %dma_start3A_511 = arith.constant 0 : i32
    %dma_start3A_512 = arith.constant 0 : i32
    %dma_start3A_513 = tpu.memref_slice %arg4[%add3A_510, %dma_start3A_511, %dma_start3A_512] : memref<512x8x2048xf32, #tpu.memory_space<hbm>> -> memref<1x8x2048xf32, #tpu.memory_space<hbm>>
    %dma_start3A_514 = arith.constant 0 : i32
    %dma_start3A_515 = arith.constant 0 : i32
    %dma_start3A_516 = tpu.memref_slice %arg4[%add3A_510, %dma_start3A_514, %dma_start3A_515] : memref<512x8x2048xf32, #tpu.memory_space<hbm>> -> memref<1x8x2048xf32, #tpu.memory_space<hbm>>
    tpu.enqueue_dma source(%arg11 : memref<1x8x2048xf32, #tpu.memory_space<vmem>>) target(%dma_start3A_516 : memref<1x8x2048xf32, #tpu.memory_space<hbm>>) target_semaphore(%arg21 : memref<!tpu.dma_semaphore, #tpu.memory_space<semaphore_mem>>)
    %dma_wait3A_517 = arith.constant 120 : i32
    %dma_wait3A_518 = tpu.memref_slice %arg6[%dma_wait3A_517] : memref<128xi32, #tpu.memory_space<vmem>> -> memref<1xi32, #tpu.memory_space<vmem>>
    %dma_wait3A_519 = arith.constant 0 : i32
    %dma_wait3A_520 = arith.constant 0 : i32
    %dma_wait3A_521 = arith.constant 0 : i32
    %dma_wait3A_522 = tpu.memref_slice %arg2[%dma_wait3A_519, %dma_wait3A_520, %dma_wait3A_521] : memref<2048x8x2048xf32, #tpu.memory_space<hbm>> -> memref<2048x8x2048xf32, #tpu.memory_space<hbm>>
    tpu.wait_indirect_dma semaphore(%arg12 : memref<!tpu.dma_semaphore, #tpu.memory_space<semaphore_mem>>) src(%dma_wait3A_522 : memref<2048x8x2048xf32, #tpu.memory_space<hbm>>) dst(%arg7 : memref<1x8x2048xf32, #tpu.memory_space<vmem>>)
    %add3A_523 = arith.constant 15 : i32
    %add3A_524 = arith.addi %mul3A_2, %add3A_523 : i32
    %dma_start3A_525 = arith.constant 0 : i32
    %dma_start3A_526 = arith.constant 0 : i32
    %dma_start3A_527 = tpu.memref_slice %arg4[%add3A_524, %dma_start3A_525, %dma_start3A_526] : memref<512x8x2048xf32, #tpu.memory_space<hbm>> -> memref<1x8x2048xf32, #tpu.memory_space<hbm>>
    %dma_start3A_528 = arith.constant 0 : i32
    %dma_start3A_529 = arith.constant 0 : i32
    %dma_start3A_530 = tpu.memref_slice %arg4[%add3A_524, %dma_start3A_528, %dma_start3A_529] : memref<512x8x2048xf32, #tpu.memory_space<hbm>> -> memref<1x8x2048xf32, #tpu.memory_space<hbm>>
    tpu.enqueue_dma source(%arg7 : memref<1x8x2048xf32, #tpu.memory_space<vmem>>) target(%dma_start3A_530 : memref<1x8x2048xf32, #tpu.memory_space<hbm>>) target_semaphore(%arg17 : memref<!tpu.dma_semaphore, #tpu.memory_space<semaphore_mem>>)
    %dma_wait3A_531 = arith.constant 0 : i32
    %dma_wait3A_532 = arith.constant 0 : i32
    %dma_wait3A_533 = tpu.memref_slice %arg4[%add3A_468, %dma_wait3A_531, %dma_wait3A_532] : memref<512x8x2048xf32, #tpu.memory_space<hbm>> -> memref<1x8x2048xf32, #tpu.memory_space<hbm>>
    %dma_wait3A_534 = arith.constant 0 : i32
    %dma_wait3A_535 = arith.constant 0 : i32
    %dma_wait3A_536 = tpu.memref_slice %arg4[%add3A_468, %dma_wait3A_534, %dma_wait3A_535] : memref<512x8x2048xf32, #tpu.memory_space<hbm>> -> memref<1x8x2048xf32, #tpu.memory_space<hbm>>
    tpu.wait_dma2 semaphore(%arg18 : memref<!tpu.dma_semaphore, #tpu.memory_space<semaphore_mem>>) src(%arg8 : memref<1x8x2048xf32, #tpu.memory_space<vmem>>) dst(%dma_wait3A_536 : memref<1x8x2048xf32, #tpu.memory_space<hbm>>)
    %dma_wait3A_537 = arith.constant 0 : i32
    %dma_wait3A_538 = arith.constant 0 : i32
    %dma_wait3A_539 = tpu.memref_slice %arg4[%add3A_482, %dma_wait3A_537, %dma_wait3A_538] : memref<512x8x2048xf32, #tpu.memory_space<hbm>> -> memref<1x8x2048xf32, #tpu.memory_space<hbm>>
    %dma_wait3A_540 = arith.constant 0 : i32
    %dma_wait3A_541 = arith.constant 0 : i32
    %dma_wait3A_542 = tpu.memref_slice %arg4[%add3A_482, %dma_wait3A_540, %dma_wait3A_541] : memref<512x8x2048xf32, #tpu.memory_space<hbm>> -> memref<1x8x2048xf32, #tpu.memory_space<hbm>>
    tpu.wait_dma2 semaphore(%arg19 : memref<!tpu.dma_semaphore, #tpu.memory_space<semaphore_mem>>) src(%arg9 : memref<1x8x2048xf32, #tpu.memory_space<vmem>>) dst(%dma_wait3A_542 : memref<1x8x2048xf32, #tpu.memory_space<hbm>>)
    %dma_wait3A_543 = arith.constant 0 : i32
    %dma_wait3A_544 = arith.constant 0 : i32
    %dma_wait3A_545 = tpu.memref_slice %arg4[%add3A_496, %dma_wait3A_543, %dma_wait3A_544] : memref<512x8x2048xf32, #tpu.memory_space<hbm>> -> memref<1x8x2048xf32, #tpu.memory_space<hbm>>
    %dma_wait3A_546 = arith.constant 0 : i32
    %dma_wait3A_547 = arith.constant 0 : i32
    %dma_wait3A_548 = tpu.memref_slice %arg4[%add3A_496, %dma_wait3A_546, %dma_wait3A_547] : memref<512x8x2048xf32, #tpu.memory_space<hbm>> -> memref<1x8x2048xf32, #tpu.memory_space<hbm>>
    tpu.wait_dma2 semaphore(%arg20 : memref<!tpu.dma_semaphore, #tpu.memory_space<semaphore_mem>>) src(%arg10 : memref<1x8x2048xf32, #tpu.memory_space<vmem>>) dst(%dma_wait3A_548 : memref<1x8x2048xf32, #tpu.memory_space<hbm>>)
    %dma_wait3A_549 = arith.constant 0 : i32
    %dma_wait3A_550 = arith.constant 0 : i32
    %dma_wait3A_551 = tpu.memref_slice %arg4[%add3A_510, %dma_wait3A_549, %dma_wait3A_550] : memref<512x8x2048xf32, #tpu.memory_space<hbm>> -> memref<1x8x2048xf32, #tpu.memory_space<hbm>>
    %dma_wait3A_552 = arith.constant 0 : i32
    %dma_wait3A_553 = arith.constant 0 : i32
    %dma_wait3A_554 = tpu.memref_slice %arg4[%add3A_510, %dma_wait3A_552, %dma_wait3A_553] : memref<512x8x2048xf32, #tpu.memory_space<hbm>> -> memref<1x8x2048xf32, #tpu.memory_space<hbm>>
    tpu.wait_dma2 semaphore(%arg21 : memref<!tpu.dma_semaphore, #tpu.memory_space<semaphore_mem>>) src(%arg11 : memref<1x8x2048xf32, #tpu.memory_space<vmem>>) dst(%dma_wait3A_554 : memref<1x8x2048xf32, #tpu.memory_space<hbm>>)
    %dma_wait3A_555 = arith.constant 0 : i32
    %dma_wait3A_556 = arith.constant 0 : i32
    %dma_wait3A_557 = tpu.memref_slice %arg4[%add3A_524, %dma_wait3A_555, %dma_wait3A_556] : memref<512x8x2048xf32, #tpu.memory_space<hbm>> -> memref<1x8x2048xf32, #tpu.memory_space<hbm>>
    %dma_wait3A_558 = arith.constant 0 : i32
    %dma_wait3A_559 = arith.constant 0 : i32
    %dma_wait3A_560 = tpu.memref_slice %arg4[%add3A_524, %dma_wait3A_558, %dma_wait3A_559] : memref<512x8x2048xf32, #tpu.memory_space<hbm>> -> memref<1x8x2048xf32, #tpu.memory_space<hbm>>
    tpu.wait_dma2 semaphore(%arg17 : memref<!tpu.dma_semaphore, #tpu.memory_space<semaphore_mem>>) src(%arg7 : memref<1x8x2048xf32, #tpu.memory_space<vmem>>) dst(%dma_wait3A_560 : memref<1x8x2048xf32, #tpu.memory_space<hbm>>)
    return
  }
}

</mosaic_0001>

<sc_bundles>
// kernel: kernel.3.cloned.1.call-start
scs
__scs_entry_jumppad:
0x0: {  	(pc) =	sbr.rel $0x88, $3  }
0x1: {  	(tag) =	ssettag $0x0;
	lr =	simm.s32 $0x1  }
0x2: {  	[smem:$0x3F9F] =	sst lr;
	_ =	strace $0xD0000000  }
0x3: {  	_ = 	snop  }
0x4: {  	_ = 	snop  }
0x5: {  	_ = 	snop  }
0x6: {  	_ = 	snop  }
0x7: {  	_ = 	snop  }
__scs_overlays_trampoline_lowered:
0x8: {  	[smem:$0x3FAE] =	sst s0  }
0x9: {  	[smem:$0x3FAF] =	sst s1  }
0xa: {  	[smem:$0x3FB0] =	sst s2  }
0xb: {  	[smem:$0x3FB1] =	sst s3  }
0xc: {  	[smem:$0x3FB2] =	sst s4  }
0xd: {  	[smem:$0x3FB3] =	sst s5  }
0xe: {  	[smem:$0x3FB4] =	sst s6  }
0xf: {  	[smem:$0x3FB5] =	sst s7  }
0x10: {  	[smem:$0x3FB6] =	sst s8  }
0x11: {  	[smem:$0x3FB7] =	sst s9;
	s0 =	simm.s32 @!p0 $0x0  }
0x12: {  	s1 =	sld [smem:$0x3F9D];
	s0 =	simm.s32 @p0 $0x1  }
0x13: {  	[smem:$0x3FB8] =	sst s0;
	s0 =	simm.s32 @!p1 $0x0  }
0x14: {  	s2 =	sld [smem:$0x3F9C];
	s0 =	simm.s32 @p1 $0x1  }
0x15: {  	[smem:$0x3FB9] =	sst s0;
	s0 =	simm.s32 @!p2 $0x0  }
0x16: {  	s3 =	sld [smem:$0x3FDB];
	s0 =	simm.s32 @p2 $0x1  }
0x17: {  	s4 =	simm.s32 $0x1BF5;
	[smem:$0x3FBB] =	sst s0  }
0x18: {  	s0 =	sld [smem:$0x3F9E];
	_ =	swait.ge [sflag:s4], $0x0  }
0x19: {  	s7 =	sld [smem:$0x3F9F]  }
0x1a: {  	s8 =	sadd.s32 $0xFFFFE003, lr  }
0x1b: {  	s9 =	sadd.s32 $0xFFFFFEF7, lr;
	s5 =	simm.s32 $0xFFFFFFFF;
	p2 =	slt.u32 s8, $0xFFFFF086  }
0x1c: {  	p1 =	slt.u32 s9, $0xF7A;
	s5 =	simm.s32 @!p2 $0x0  }
0x1d: {  	s5 =	simm.s32 @p1 $0x1;
	p0 =	seq.s32 s7, s2  }
0x1e: {  	s7 =	smul.u32 @!p0 $0xF7A, s2;
	p2 =	seq.s32 @!p0 s5, $0x0  }
0x1f: {  	s9 =	smul.u32 $0xF7A, s1;
	s8 =	simm.s32 @!p0 $0x1BF5;
	p2 =	por !p2, p0  }
0x20: {  	[sflag:s8] =	ssyncset.s32 @!p0 $0xFFFFF086;
	s6 =	sadd.s32 @!p0 s3, s7;
	s7 =	simm.s32 @!p0 $0x108  }
0x21: {  	s3 =	sadd.s32 s3, s9;
	s6 =	sadd.s32 @!p0 $0x88, s6;
	s7 =	simm.s32 @p2 $0x1082  }
0x22: {  	[simem:s7], [sflag:s8] =	dma.local @!p0 [hbm:s6], $0xF7A  }
0x23: {  	s9 =	sor.u32 $0xD0000000, s2;
	s6 =	simm.s32 $0x108;
	_ =	swait.ge @!p0 [sflag:s8], $0x0  }
0x24: {  	s3 =	sadd.s32 $0x88, s3;
	s6 =	simm.s32 @!p1 $0x1082;
	[sflag:s4] =	ssyncset.s32 $0xFFFFF086  }
0x25: {  	[simem:s6], [sflag:s4] =	dma.local [hbm:s3], $0xF7A  }
0x26: {  	[smem:$0x3F9F] =	sst s1;
	(tag) =	ssettag s2;
	_ =	strace s9  }
0x27: {  	s1 =	sld [smem:$0x3FAF]  }
0x28: {  	s2 =	sld [smem:$0x3FB0]  }
0x29: {  	s4 =	sld [smem:$0x3FB2]  }
0x2a: {  	p0 =	seq.s32 s5, $0x0;
	s5 =	sld [smem:$0x3FB3]  }
0x2b: {  	s6 =	sld [smem:$0x3FB4]  }
0x2c: {  	s7 =	sld [smem:$0x3FB5]  }
0x2d: {  	s3 =	simm.s32 $0x108;
	s8 =	sld [smem:$0x3FB6]  }
0x2e: {  	s3 =	simm.s32 @!p0 $0x1082;
	s9 =	sld [smem:$0x3FB7]  }
0x2f: {  	lr =	sadd.s32 s0, s3;
	s0 =	sld [smem:$0x3FAE]  }
0x30: {  	s3 =	sld [smem:$0x3FB1]  }
0x31: {  	[smem:$0x3FBA] =	sst s10  }
0x32: {  	s10 =	sld [smem:$0x3FB8];
	_ =	sdelay $0x3  }
0x33: {  	p0 =	seq.s32 s10, $0x1;
	s10 =	sld [smem:$0x3FBA];
	_ =	sdelay $0x3  }
0x34: {  	[smem:$0x3FBA] =	sst s10  }
0x35: {  	s10 =	sld [smem:$0x3FB9];
	_ =	sdelay $0x3  }
0x36: {  	p1 =	seq.s32 s10, $0x1;
	s10 =	sld [smem:$0x3FBA];
	_ =	sdelay $0x3  }
0x37: {  	[smem:$0x3FBA] =	sst s10  }
0x38: {  	s10 =	sld [smem:$0x3FBB]  }
0x39: {  	_ = 	snop;
	(pc) =	sbr.ind lr, $3  }
0x3a: {  	_ = 	snop  }
0x3b: {  	_ = 	snop  }
0x3c: {  	p2 =	seq.s32 s10, $0x1;
	s10 =	sld [smem:$0x3FBA]  }
0x3d: {  	_ =	shalt  }
0x3e: {  	_ =	shalt  }
0x3f: {  	_ =	shalt  }
0x40: {  	_ =	shalt  }
0x41: {  	_ =	shalt  }
0x42: {  	_ =	shalt  }
0x43: {  	_ =	shalt  }
0x44: {  	_ =	shalt  }
0x45: {  	_ =	shalt  }
0x46: {  	_ =	shalt  }
0x47: {  	_ =	shalt  }
0x48: {  	_ =	shalt  }
0x49: {  	_ =	shalt  }
0x4a: {  	_ =	shalt  }
0x4b: {  	_ =	shalt  }
0x4c: {  	_ =	shalt  }
0x4d: {  	_ =	shalt  }
0x4e: {  	_ =	shalt  }
0x4f: {  	_ =	shalt  }
0x50: {  	_ =	shalt  }
0x51: {  	_ =	shalt  }
0x52: {  	_ =	shalt  }
0x53: {  	_ =	shalt  }
0x54: {  	_ =	shalt  }
0x55: {  	_ =	shalt  }
0x56: {  	_ =	shalt  }
0x57: {  	_ =	shalt  }
0x58: {  	_ =	shalt  }
0x59: {  	_ =	shalt  }
0x5a: {  	_ =	shalt  }
0x5b: {  	_ =	shalt  }
0x5c: {  	_ =	shalt  }
0x5d: {  	_ =	shalt  }
0x5e: {  	_ =	shalt  }
0x5f: {  	_ =	shalt  }
0x60: {  	_ =	shalt  }
0x61: {  	_ =	shalt  }
0x62: {  	_ =	shalt  }
0x63: {  	_ =	shalt  }
0x64: {  	_ =	shalt  }
0x65: {  	_ =	shalt  }
0x66: {  	_ =	shalt  }
0x67: {  	_ =	shalt  }
0x68: {  	_ =	shalt  }
0x69: {  	_ =	shalt  }
0x6a: {  	_ =	shalt  }
0x6b: {  	_ =	shalt  }
0x6c: {  	_ =	shalt  }
0x6d: {  	_ =	shalt  }
0x6e: {  	_ =	shalt  }
0x6f: {  	_ =	shalt  }
0x70: {  	_ =	shalt  }
0x71: {  	_ =	shalt  }
0x72: {  	_ =	shalt  }
0x73: {  	_ =	shalt  }
0x74: {  	_ =	shalt  }
0x75: {  	_ =	shalt  }
0x76: {  	_ =	shalt  }
0x77: {  	_ =	shalt  }
0x78: {  	_ =	shalt  }
0x79: {  	_ =	shalt  }
0x7a: {  	_ =	shalt  }
0x7b: {  	_ =	shalt  }
0x7c: {  	_ =	shalt  }
0x7d: {  	_ =	shalt  }
0x7e: {  	_ =	shalt  }
0x7f: {  	_ =	shalt  }
0x80: {  	_ =	shalt  }
0x81: {  	_ =	shalt  }
0x82: {  	_ =	shalt  }
0x83: {  	_ =	shalt  }
0x84: {  	_ =	shalt  }
0x85: {  	_ =	shalt  }
0x86: {  	_ =	shalt  }
0x87: {  	_ =	shalt  }
.Lfunc_end0:
.L_simem_size_0:
called_computation_lowered:
.L_overlay_start_0:
0x88: {  	s2 =	sld [smem:$0x3FD9]  }
0x89: {  	s3 =	sld [smem:$0x3FFE];
	_ =	sdelay $0x1  }
0x8a: {  	s1 =	srdreg.scid  }
0x8b: {  	s0 =	sand.u32 $0x1, s1  }
0x8c: {  	s17 =	sshll.u32 s0, $0xA;
	s2 =	sadd.s32 s3, s2  }
0x8d: {  	s2 =	sadd.s32 s2, s17  }
0x8e: {  	[smem:$0x3FC6] =	sst s2  }
0x8f: {  	_ = 	snop  }
0x90: {  	s2 =	sld [smem:$0x3FC9]  }
0x91: {  	s18 =	sld [smem:$0x3FD0];
	(tm) =	ssettm $0x1  }
0x92: {  	s4 =	sld [smem:$0x3FFB];
	_ =	sdelay $0x3  }
0x93: {  	_ =	strace s4  }
0x94: {  	s4 =	sld [smem:$0x3FFC];
	_ =	sdelay $0x3  }
0x95: {  	_ =	strace s4  }
0x96: {  	s4 =	sld [smem:$0x3FFD];
	_ =	sdelay $0x3  }
0x97: {  	_ =	strace s4  }
0x98: {  	_ =	strace $0x8FFFFFFF  }
0x99: {  	s19 =	sld [smem:$0x3FDB];
	_ =	sdelay $0x1  }
0x9a: {  	s5 =	simm.s32 $_scs_section_size  }
0x9b: {  	s6 =	simm.s32 $_size__tile_overlayer_lowered;
	s7 =	simm.s32 $_tile_overlayer_lowered  }
0x9c: {  	s22 =	simm.s32 $0x1BFF;
	s21 =	sshll.u32 s7, $0x1;
	s4 =	sadd.s32 s5, s19  }
0x9d: {  	s8 =	simm.s32 $0x0;
	s20 =	sshll.u32 s6, $0x1;
	s6 =	sadd.s32 s21, s4  }
0x9e: {  	[timem:s8], [sflag:s22] =	dma.local [hbm:s6], s20  }
0x9f: {  	_ =	swait.ge [sflag:s22], s20  }
0xa0: {  	s5 =	ssub.s32 $0x0, s20;
	[sflag:s22] =	ssyncset.done $0x0  }
0xa1: {  	[sflag:s22] =	ssyncadd.s32 s5;
	_ =	sdelay $0x1  }
0xa2: {  	s23 =	simm.s32 $0x1B8B  }
0xa3: {  	_ =	swait.ge [sflag:s23], $0x1  }
0xa4: {  	[sflag:s23] =	ssyncset.done $0x0  }
0xa5: {  	s25 =	simm.s32 $0x1B8E;
	s24 =	sld [smem:$0x3FFE];
	[sflag:s23] =	ssyncadd.s32 $0xFFFFFFFF  }
0xa6: {  	s26 =	simm.s32 $execute0_lowered;
	[smem:$0x3FD2] =	sst s25  }
0xa7: {  	s6 =	sshll.u32 s26, $0x1;
	_ =	strace $0x80000046;
	[dreg:$0x1] =	wrdreg $0xFFFFFFFF  }
0xa8: {  	s28 =	simm.s32 $_size_execute0_lowered;
	s4 =	sadd.s32 s4, s6;
	[dreg:$0x0] =	wrdreg $0x0  }
0xa9: {  	s6 =	sshll.u32 s28, $0x1;
	[dreg:$0x2] =	wrdreg s4  }
0xaa: {  	[dreg:$0x3] =	wrdreg s6  }
0xab: {  	[dreg:$0x4] =	wrdreg $0xC0  }
0xac: {  	_ =	task [dreg:s8], $0x5FFFF  }
0xad: {  	[dreg:$0x1] =	wrdreg $0xFFFFFFFF  }
0xae: {  	[dreg:$0x0] =	wrdreg $0x60  }
0xaf: {  	[dreg:$0x2] =	wrdreg s2  }
0xb0: {  	[dreg:$0x3] =	wrdreg s24  }
0xb1: {  	[dreg:$0x4] =	wrdreg s18  }
0xb2: {  	[dreg:$0x5] =	wrdreg $0x9  }
0xb3: {  	_ =	task.clear_ibuf [dreg:s8], $0x6FFFF;
	_ =	strace $0x90000046  }
0xb4: {  	s29 =	simm.s32 $0x9;
	_ =	strace $0x80000048  }
0xb5: {  	_ =	swait.ge [sflag:s29], $0x1  }
0xb6: {  	[sflag:s29] =	ssyncadd.s32 $0xFFFFFFFF  }
0xb7: {  	_ =	strace $0x90000048  }
0xb8: {  	_ =	sfence  }
0xb9: {  	s30 =	sld [smem:$0x0];
	_ =	sdelay $0x2  }
0xba: {  	s31 =	sshll.u32 s1, $0xD;
	s1 =	sshrl.u32 s1, $0x2  }
0xbb: {  	s3 =	sand.u32 $0x4000, s31;
	s1 =	sadd.s32 s1, s30  }
0xbc: {  	s0 =	sor.u32 s3, s0;
	s1 =	sshll.u32 s1, $0x11  }
0xbd: {  	s0 =	sor.u32 s1, s0  }
0xbe: {  	s0 =	sadd.s32 $0x8F2B, s0  }
0xbf: {  	[sflag:s0] =	ssyncadd.remote.s32 $0x1  }
0xc0: {  	_ =	sfence.sel $0xFFFF  }
0xc1: {  	[dreg:$0x0] =	wrdreg $0xFFFFFFFF;
	(pc) =	sbr.abs _section_cstart, $3  }
0xc2: {  	[dreg:$0x1] =	wrdreg $0xFFFFFFFF  }
0xc3: {  	_ =	task.clear_ibuf [dreg:s8], $0x2FFFF;
	_ =	strace $0x9FFFFFFF  }
0xc4: {  	(tm) =	ssettm $0x7FFFFFFF  }
0xc5: {  	_ =	shalt  }
tec
execute0_lowered:
.L_overlay_start_1:
0x0: {  	(tag) =	ssettag $0x1  }
0x1: {  	s2 =	srdreg.scid;
	s1 =	rddreg [dreg:$0x0]  }
0x2: {  	s0 =	stileid.u32;
	s4 =	rddreg [dreg:$0x1]  }
0x3: {  	s6 =	rddreg [dreg:$0x2];
	s16 =	simm.s32 $0xB;
	s17 =	simm.s32 $0x100  }
0x4: {  	s18 =	simm.s32 $0x4100;
	s19 =	simm.s32 $0x8100;
	s20 =	simm.s32 $0xC100  }
0x5: {  	s28 =	simm.s32 $0x8;
	s29 =	simm.s32 $0x4;
	s2 =	sand.u32 $0x1, s2  }
0x6: {  	s30 =	simm.s32 $0x9;
	s3 =	sshll.u32 s0, $0x5;
	s5 =	sshll.u32 s2, $0x4  }
0x7: {  	s31 =	simm.s32 $0x5;
	s2 =	ssub.s32 $0x2, s2;
	s14 =	sor.u32 s5, s3  }
0x8: {  	s3 =	simm.s32 $0x0;
	s25 =	sshrl.u32 s2, $0x1;
	s5 =	sshrl.u32 s14, $0x3  }
0x9: {  	[smem:$0x7FF] =	sst s3;
	s21 =	sshll.u32 s14, $0xB;
	s2 =	ssub.s32 s2, s25  }
0xa: {  	s25 =	simm.s32 $0x7;
	s4 =	sadd.s32 s5, s4;
	_ =	strace $0x80000047  }
0xb: {  	s15 =	smax.u32 s2, $0x1;
	s2 =	simm.s32 $0xA;
	s7 =	sadd.s32 $0x400, s4  }
0xc: {  	s4 =	sadd.s32 s6, s21;
	s21 =	simm.s32 $0x10100;
	[dreg:$0x4] =	wrdreg s7  }
0xd: {  	s5 =	sadd.s32 $0x800, s4;
	s22 =	sadd.s32 $0x1000, s4;
	s23 =	sadd.s32 $0x1800, s4  }
0xe: {  	v0 =	vlaneseq.u32;
	s24 =	sadd.s32 $0x2000, s4;
	s26 =	sadd.s32 $0x2800, s4;
	s6 =	sadd.s32 $0x3800, s4  }
0xf: {  	v2 =	vmul.u32 $0x4, v0;
	v1 =	vmov s14;
	s7 =	sadd.s32 $0x4000, s4;
	s8 =	sadd.s32 $0x4800, s4;
	[dreg:$0x5] =	wrdreg s5  }
0x10: {  	v1 =	vshll.u32 v1, $0x2;
	s9 =	sadd.s32 $0x5000, s4;
	s10 =	sadd.s32 $0x5800, s4;
	[dreg:$0x6] =	wrdreg s22  }
0x11: {  	v2 =	vor.u32 v2, v1;
	v1 =	vshrl.u32 v0, $0x3;
	s11 =	sadd.s32 $0x6000, s4;
	s12 =	sadd.s32 $0x6800, s4;
	[dreg:$0x7] =	wrdreg s23  }
0x12: {  	vm0 =	vmmov $0x1;
	s13 =	sadd.s32 $0x7000, s4;
	s14 =	sadd.s32 $0x7800, s4;
	v2 =	vand.u32 $0x7FFFFFE0, v2;
	v3 =	vor.u32 $0x2, v1;
	[dreg:$0x8] =	wrdreg s24  }
0x13: {  	v4 =	vor.u32 $0x4, v1;
	v5 =	vor.u32 $0x6, v1;
	v6 =	vor.u32 $0x8, v1;
	[dreg:$0x9] =	wrdreg s26;
	s5 =	sadd.s32 $0x3000, s4;
	s22 =	simm.s32 $0x1  }
0x14: {  	v7 =	vor.u32 $0xA, v1;
	v8 =	vor.u32 $0xC, v1;
	v9 =	vor.u32 $0xE, v1;
	s23 =	simm.s32 $0x6;
	s24 =	simm.s32 $0x2;
	s26 =	simm.s32 $0x3  }
.LBB2_1:
0x15: {  	s0 =	rddreg [dreg:$0x4]  }
0x16: {  	[tilespmem:s3], [sflag:$0xB] =	stream.linear.gather [hbm4b:s0+s3], $0x10, $0x38;
	[tilespmem:$0x14100] =	vst v63  }
0x17: {  	_ =	swait.ge [sflag:s16], $0x10  }
0x18: {  	[sflag:s16] =	ssyncset.done $0x0  }
0x19: {  	[sflag:s16] =	ssyncadd.s32 $0xFFFFFFF0  }
0x1a: {  	v10 =	vld [tilespmem:$0x0];
	_ =	sdelay $0x4  }
0x1b: {  	v10 =	vadd.s32 v2, v10  }
0x1c: {  	v11 =	vperm.xlane v10, v1;
	_ =	sdelay $0x1  }
0x1d: {  	[tilespmem:$0x80] =	vst v11  }
0x1e: {  	v11 =	vld.msk [tilespmem:$0x80], $0x1;
	_ =	sdelay $0x2  }
0x1f: {  	v12 =	vperm.xlane v10, v3  }
0x20: {  	v13 =	vperm.xlane v10, v4  }
0x21: {  	v60 =	vperm.xlane v10, v5;
	[tilespmem:$0x90] =	vst v12;
	v11 =	vshll.u32 v11, $0xE  }
0x22: {  	v61 =	vperm.xlane v10, v6;
	[tilespmem:$0xA0] =	vst v13;
	v11 =	vperm.xlane v11, v0  }
0x23: {  	v62 =	vperm.xlane v10, v7;
	[tilespmem:$0xB0] =	vst v60  }
0x24: {  	v63 =	vperm.xlane v10, v8;
	[tilespmem:$0xC0] =	vst v61  }
0x25: {  	v10 =	vperm.xlane v10, v9;
	[tilespmem:$0xD0] =	vst v62  }
0x26: {  	[tilespmem:$0xE0] =	vst v63  }
0x27: {  	[tilespmem:$0xF0] =	vst v10  }
0x28: {  	[tilespmem:s17], [sflag:$0x1] =	stream.indirect_vreg.gather [hbm4b:s1+s3], $0x4000, v11, vm0, $0x38;
	[tilespmem:$0x14100] =	vst v63  }
0x29: {  	v10 =	vld.msk [tilespmem:$0x88], $0x1;
	_ =	sdelay $0x4  }
0x2a: {  	v10 =	vshll.u32 v10, $0xE  }
0x2b: {  	v10 =	vperm.xlane v10, v0;
	_ =	sdelay $0x5  }
0x2c: {  	[tilespmem:s18], [sflag:$0x2] =	stream.indirect_vreg.gather [hbm4b:s1+s3], $0x4000, v10, vm0, $0x38;
	[tilespmem:$0x14100] =	vst v63  }
0x2d: {  	v10 =	vld.msk [tilespmem:$0x90], $0x1;
	_ =	sdelay $0x4  }
0x2e: {  	v10 =	vshll.u32 v10, $0xE  }
0x2f: {  	v10 =	vperm.xlane v10, v0;
	_ =	sdelay $0x5  }
0x30: {  	[tilespmem:s19], [sflag:$0x3] =	stream.indirect_vreg.gather [hbm4b:s1+s3], $0x4000, v10, vm0, $0x38;
	[tilespmem:$0x14100] =	vst v63  }
0x31: {  	v10 =	vld.msk [tilespmem:$0x98], $0x1;
	_ =	sdelay $0x4  }
0x32: {  	v10 =	vshll.u32 v10, $0xE  }
0x33: {  	v10 =	vperm.xlane v10, v0;
	_ =	sdelay $0x5  }
0x34: {  	[tilespmem:s20], [sflag:$0x4] =	stream.indirect_vreg.gather [hbm4b:s1+s3], $0x4000, v10, vm0, $0x38;
	[tilespmem:$0x14100] =	vst v63  }
0x35: {  	v10 =	vld.msk [tilespmem:$0xA0], $0x1;
	_ =	sdelay $0x4  }
0x36: {  	v10 =	vshll.u32 v10, $0xE  }
0x37: {  	v10 =	vperm.xlane v10, v0;
	_ =	sdelay $0x5  }
0x38: {  	[tilespmem:s21], [sflag:$0x5] =	stream.indirect_vreg.gather [hbm4b:s1+s3], $0x4000, v10, vm0, $0x38;
	[tilespmem:$0x14100] =	vst v63  }
0x39: {  	_ =	swait.ge [sflag:s22], $0x4000  }
0x3a: {  	[sflag:s22] =	ssyncset.done $0x0  }
0x3b: {  	[sflag:s22] =	ssyncadd.s32 $0xFFFFC000  }
0x3c: {  	[hbm4b:s4+s3] =	stream.linear.scatter [tilespmem:s17], [sflag:$0x6], $0x4000, $0x38;
	[tilespmem:$0x14100] =	vst v63  }
0x3d: {  	_ =	swait.ge [sflag:s23], $0x4000  }
0x3e: {  	[sflag:s23] =	ssyncset.done $0x0  }
0x3f: {  	[sflag:s23] =	ssyncadd.s32 $0xFFFFC000  }
0x40: {  	v10 =	vld.msk [tilespmem:$0xA8], $0x1;
	_ =	sdelay $0x4  }
0x41: {  	v10 =	vshll.u32 v10, $0xE  }
0x42: {  	v10 =	vperm.xlane v10, v0;
	_ =	sdelay $0x5  }
0x43: {  	[tilespmem:s17], [sflag:$0x1] =	stream.indirect_vreg.gather [hbm4b:s1+s3], $0x4000, v10, vm0, $0x38;
	[tilespmem:$0x14100] =	vst v63  }
0x44: {  	_ =	swait.ge [sflag:s24], $0x4000  }
0x45: {  	[sflag:s24] =	ssyncset.done $0x0  }
0x46: {  	s0 =	rddreg [dreg:$0x5];
	[sflag:s24] =	ssyncadd.s32 $0xFFFFC000  }
0x47: {  	[hbm4b:s0+s3] =	stream.linear.scatter [tilespmem:s18], [sflag:$0x7], $0x4000, $0x38;
	[tilespmem:$0x14100] =	vst v63  }
0x48: {  	_ =	swait.ge [sflag:s25], $0x4000  }
0x49: {  	[sflag:s25] =	ssyncset.done $0x0  }
0x4a: {  	[sflag:s25] =	ssyncadd.s32 $0xFFFFC000  }
0x4b: {  	v10 =	vld.msk [tilespmem:$0xB0], $0x1;
	_ =	sdelay $0x4  }
0x4c: {  	v10 =	vshll.u32 v10, $0xE  }
0x4d: {  	v10 =	vperm.xlane v10, v0;
	_ =	sdelay $0x5  }
0x4e: {  	[tilespmem:s18], [sflag:$0x2] =	stream.indirect_vreg.gather [hbm4b:s1+s3], $0x4000, v10, vm0, $0x38;
	[tilespmem:$0x14100] =	vst v63  }
0x4f: {  	_ =	swait.ge [sflag:s26], $0x4000  }
0x50: {  	[sflag:s26] =	ssyncset.done $0x0  }
0x51: {  	s0 =	rddreg [dreg:$0x6];
	[sflag:s26] =	ssyncadd.s32 $0xFFFFC000  }
0x52: {  	[hbm4b:s0+s3] =	stream.linear.scatter [tilespmem:s19], [sflag:$0x8], $0x4000, $0x38;
	[tilespmem:$0x14100] =	vst v63  }
0x53: {  	_ =	swait.ge [sflag:s28], $0x4000  }
0x54: {  	[sflag:s28] =	ssyncset.done $0x0  }
0x55: {  	[sflag:s28] =	ssyncadd.s32 $0xFFFFC000  }
0x56: {  	v10 =	vld.msk [tilespmem:$0xB8], $0x1;
	_ =	sdelay $0x4  }
0x57: {  	v10 =	vshll.u32 v10, $0xE  }
0x58: {  	v10 =	vperm.xlane v10, v0;
	_ =	sdelay $0x5  }
0x59: {  	[tilespmem:s19], [sflag:$0x3] =	stream.indirect_vreg.gather [hbm4b:s1+s3], $0x4000, v10, vm0, $0x38;
	[tilespmem:$0x14100] =	vst v63  }
0x5a: {  	_ =	swait.ge [sflag:s29], $0x4000  }
0x5b: {  	[sflag:s29] =	ssyncset.done $0x0  }
0x5c: {  	s0 =	rddreg [dreg:$0x7];
	[sflag:s29] =	ssyncadd.s32 $0xFFFFC000  }
0x5d: {  	[hbm4b:s0+s3] =	stream.linear.scatter [tilespmem:s20], [sflag:$0x9], $0x4000, $0x38;
	[tilespmem:$0x14100] =	vst v63  }
0x5e: {  	_ =	swait.ge [sflag:s30], $0x4000  }
0x5f: {  	[sflag:s30] =	ssyncset.done $0x0  }
0x60: {  	[sflag:s30] =	ssyncadd.s32 $0xFFFFC000  }
0x61: {  	v10 =	vld.msk [tilespmem:$0xC0], $0x1;
	_ =	sdelay $0x4  }
0x62: {  	v10 =	vshll.u32 v10, $0xE  }
0x63: {  	v10 =	vperm.xlane v10, v0;
	_ =	sdelay $0x5  }
0x64: {  	[tilespmem:s20], [sflag:$0x4] =	stream.indirect_vreg.gather [hbm4b:s1+s3], $0x4000, v10, vm0, $0x38;
	[tilespmem:$0x14100] =	vst v63  }
0x65: {  	_ =	swait.ge [sflag:s31], $0x4000  }
0x66: {  	[sflag:s31] =	ssyncset.done $0x0  }
0x67: {  	s0 =	rddreg [dreg:$0x8];
	[sflag:s31] =	ssyncadd.s32 $0xFFFFC000  }
0x68: {  	[hbm4b:s0+s3] =	stream.linear.scatter [tilespmem:s21], [sflag:$0xA], $0x4000, $0x38;
	[tilespmem:$0x14100] =	vst v63  }
0x69: {  	_ =	swait.ge [sflag:s2], $0x4000  }
0x6a: {  	[sflag:s2] =	ssyncset.done $0x0  }
0x6b: {  	[sflag:s2] =	ssyncadd.s32 $0xFFFFC000  }
0x6c: {  	v10 =	vld.msk [tilespmem:$0xC8], $0x1;
	_ =	sdelay $0x4  }
0x6d: {  	v10 =	vshll.u32 v10, $0xE  }
0x6e: {  	v10 =	vperm.xlane v10, v0;
	_ =	sdelay $0x5  }
0x6f: {  	[tilespmem:s21], [sflag:$0x5] =	stream.indirect_vreg.gather [hbm4b:s1+s3], $0x4000, v10, vm0, $0x38;
	[tilespmem:$0x14100] =	vst v63  }
0x70: {  	_ =	swait.ge [sflag:s22], $0x4000  }
0x71: {  	[sflag:s22] =	ssyncset.done $0x0  }
0x72: {  	s0 =	rddreg [dreg:$0x9];
	[sflag:s22] =	ssyncadd.s32 $0xFFFFC000  }
0x73: {  	[hbm4b:s0+s3] =	stream.linear.scatter [tilespmem:s17], [sflag:$0x6], $0x4000, $0x38;
	[tilespmem:$0x14100] =	vst v63  }
0x74: {  	_ =	swait.ge [sflag:s23], $0x4000  }
0x75: {  	[sflag:s23] =	ssyncset.done $0x0  }
0x76: {  	[sflag:s23] =	ssyncadd.s32 $0xFFFFC000  }
0x77: {  	v10 =	vld.msk [tilespmem:$0xD0], $0x1;
	_ =	sdelay $0x4  }
0x78: {  	v10 =	vshll.u32 v10, $0xE  }
0x79: {  	v10 =	vperm.xlane v10, v0;
	_ =	sdelay $0x5  }
0x7a: {  	[tilespmem:s17], [sflag:$0x1] =	stream.indirect_vreg.gather [hbm4b:s1+s3], $0x4000, v10, vm0, $0x38;
	[tilespmem:$0x14100] =	vst v63  }
0x7b: {  	_ =	swait.ge [sflag:s24], $0x4000  }
0x7c: {  	[sflag:s24] =	ssyncset.done $0x0  }
0x7d: {  	[sflag:s24] =	ssyncadd.s32 $0xFFFFC000  }
0x7e: {  	[hbm4b:s5+s3] =	stream.linear.scatter [tilespmem:s18], [sflag:$0x7], $0x4000, $0x38;
	[tilespmem:$0x14100] =	vst v63  }
0x7f: {  	_ =	swait.ge [sflag:s25], $0x4000  }
0x80: {  	[sflag:s25] =	ssyncset.done $0x0  }
0x81: {  	[sflag:s25] =	ssyncadd.s32 $0xFFFFC000  }
0x82: {  	v10 =	vld.msk [tilespmem:$0xD8], $0x1;
	_ =	sdelay $0x4  }
0x83: {  	v10 =	vshll.u32 v10, $0xE  }
0x84: {  	v10 =	vperm.xlane v10, v0;
	_ =	sdelay $0x5  }
0x85: {  	[tilespmem:s18], [sflag:$0x2] =	stream.indirect_vreg.gather [hbm4b:s1+s3], $0x4000, v10, vm0, $0x38;
	[tilespmem:$0x14100] =	vst v63  }
0x86: {  	_ =	swait.ge [sflag:s26], $0x4000  }
0x87: {  	[sflag:s26] =	ssyncset.done $0x0  }
0x88: {  	[sflag:s26] =	ssyncadd.s32 $0xFFFFC000  }
0x89: {  	[hbm4b:s6+s3] =	stream.linear.scatter [tilespmem:s19], [sflag:$0x8], $0x4000, $0x38;
	[tilespmem:$0x14100] =	vst v63  }
0x8a: {  	_ =	swait.ge [sflag:s28], $0x4000  }
0x8b: {  	[sflag:s28] =	ssyncset.done $0x0  }
0x8c: {  	[sflag:s28] =	ssyncadd.s32 $0xFFFFC000  }
0x8d: {  	v10 =	vld.msk [tilespmem:$0xE0], $0x1;
	_ =	sdelay $0x4  }
0x8e: {  	v10 =	vshll.u32 v10, $0xE  }
0x8f: {  	v10 =	vperm.xlane v10, v0;
	_ =	sdelay $0x5  }
0x90: {  	[tilespmem:s19], [sflag:$0x3] =	stream.indirect_vreg.gather [hbm4b:s1+s3], $0x4000, v10, vm0, $0x38;
	[tilespmem:$0x14100] =	vst v63  }
0x91: {  	_ =	swait.ge [sflag:s29], $0x4000  }
0x92: {  	[sflag:s29] =	ssyncset.done $0x0  }
0x93: {  	[sflag:s29] =	ssyncadd.s32 $0xFFFFC000  }
0x94: {  	[hbm4b:s7+s3] =	stream.linear.scatter [tilespmem:s20], [sflag:$0x9], $0x4000, $0x38;
	[tilespmem:$0x14100] =	vst v63  }
0x95: {  	_ =	swait.ge [sflag:s30], $0x4000  }
0x96: {  	[sflag:s30] =	ssyncset.done $0x0  }
0x97: {  	[sflag:s30] =	ssyncadd.s32 $0xFFFFC000  }
0x98: {  	v10 =	vld.msk [tilespmem:$0xE8], $0x1;
	_ =	sdelay $0x4  }
0x99: {  	v10 =	vshll.u32 v10, $0xE  }
0x9a: {  	v10 =	vperm.xlane v10, v0;
	_ =	sdelay $0x5  }
0x9b: {  	[tilespmem:s20], [sflag:$0x4] =	stream.indirect_vreg.gather [hbm4b:s1+s3], $0x4000, v10, vm0, $0x38;
	[tilespmem:$0x14100] =	vst v63  }
0x9c: {  	_ =	swait.ge [sflag:s31], $0x4000  }
0x9d: {  	[sflag:s31] =	ssyncset.done $0x0  }
0x9e: {  	[sflag:s31] =	ssyncadd.s32 $0xFFFFC000  }
0x9f: {  	[hbm4b:s8+s3] =	stream.linear.scatter [tilespmem:s21], [sflag:$0xA], $0x4000, $0x38;
	[tilespmem:$0x14100] =	vst v63  }
0xa0: {  	_ =	swait.ge [sflag:s2], $0x4000  }
0xa1: {  	[sflag:s2] =	ssyncset.done $0x0  }
0xa2: {  	[sflag:s2] =	ssyncadd.s32 $0xFFFFC000  }
0xa3: {  	v10 =	vld.msk [tilespmem:$0xF0], $0x1;
	_ =	sdelay $0x4  }
0xa4: {  	v10 =	vshll.u32 v10, $0xE  }
0xa5: {  	v10 =	vperm.xlane v10, v0;
	_ =	sdelay $0x5  }
0xa6: {  	[tilespmem:s21], [sflag:$0x5] =	stream.indirect_vreg.gather [hbm4b:s1+s3], $0x4000, v10, vm0, $0x38;
	[tilespmem:$0x14100] =	vst v63  }
0xa7: {  	_ =	swait.ge [sflag:s22], $0x4000  }
0xa8: {  	[sflag:s22] =	ssyncset.done $0x0  }
0xa9: {  	[sflag:s22] =	ssyncadd.s32 $0xFFFFC000  }
0xaa: {  	[hbm4b:s9+s3] =	stream.linear.scatter [tilespmem:s17], [sflag:$0x6], $0x4000, $0x38;
	[tilespmem:$0x14100] =	vst v63  }
0xab: {  	_ =	swait.ge [sflag:s23], $0x4000  }
0xac: {  	[sflag:s23] =	ssyncset.done $0x0  }
0xad: {  	[sflag:s23] =	ssyncadd.s32 $0xFFFFC000  }
0xae: {  	v10 =	vld.msk [tilespmem:$0xF8], $0x1;
	_ =	sdelay $0x4  }
0xaf: {  	v10 =	vshll.u32 v10, $0xE  }
0xb0: {  	v10 =	vperm.xlane v10, v0;
	_ =	sdelay $0x5  }
0xb1: {  	[tilespmem:s17], [sflag:$0x1] =	stream.indirect_vreg.gather [hbm4b:s1+s3], $0x4000, v10, vm0, $0x38;
	[tilespmem:$0x14100] =	vst v63  }
0xb2: {  	_ =	swait.ge [sflag:s24], $0x4000  }
0xb3: {  	[sflag:s24] =	ssyncset.done $0x0  }
0xb4: {  	[sflag:s24] =	ssyncadd.s32 $0xFFFFC000  }
0xb5: {  	[hbm4b:s10+s3] =	stream.linear.scatter [tilespmem:s18], [sflag:$0x7], $0x4000, $0x38;
	[tilespmem:$0x14100] =	vst v63  }
0xb6: {  	_ =	swait.ge [sflag:s26], $0x4000  }
0xb7: {  	[sflag:s26] =	ssyncset.done $0x0  }
0xb8: {  	[sflag:s26] =	ssyncadd.s32 $0xFFFFC000  }
0xb9: {  	[hbm4b:s11+s3] =	stream.linear.scatter [tilespmem:s19], [sflag:$0x8], $0x4000, $0x38;
	[tilespmem:$0x14100] =	vst v63  }
0xba: {  	_ =	swait.ge [sflag:s29], $0x4000  }
0xbb: {  	[sflag:s29] =	ssyncset.done $0x0  }
0xbc: {  	[sflag:s29] =	ssyncadd.s32 $0xFFFFC000  }
0xbd: {  	[hbm4b:s12+s3] =	stream.linear.scatter [tilespmem:s20], [sflag:$0x9], $0x4000, $0x38;
	[tilespmem:$0x14100] =	vst v63  }
0xbe: {  	_ =	swait.ge [sflag:s31], $0x4000  }
0xbf: {  	[sflag:s31] =	ssyncset.done $0x0  }
0xc0: {  	[sflag:s31] =	ssyncadd.s32 $0xFFFFC000  }
0xc1: {  	[hbm4b:s13+s3] =	stream.linear.scatter [tilespmem:s21], [sflag:$0xA], $0x4000, $0x38;
	[tilespmem:$0x14100] =	vst v63  }
0xc2: {  	_ =	swait.ge [sflag:s22], $0x4000  }
0xc3: {  	[sflag:s22] =	ssyncset.done $0x0  }
0xc4: {  	[sflag:s22] =	ssyncadd.s32 $0xFFFFC000  }
0xc5: {  	[hbm4b:s14+s3] =	stream.linear.scatter [tilespmem:s17], [sflag:$0x6], $0x4000, $0x38;
	[tilespmem:$0x14100] =	vst v63  }
0xc6: {  	_ =	swait.ge [sflag:s25], $0x4000  }
0xc7: {  	[sflag:s25] =	ssyncset.done $0x0  }
0xc8: {  	[sflag:s25] =	ssyncadd.s32 $0xFFFFC000  }
0xc9: {  	_ =	swait.ge [sflag:s28], $0x4000  }
0xca: {  	[sflag:s28] =	ssyncset.done $0x0  }
0xcb: {  	[sflag:s28] =	ssyncadd.s32 $0xFFFFC000  }
0xcc: {  	_ =	swait.ge [sflag:s30], $0x4000  }
0xcd: {  	[sflag:s30] =	ssyncset.done $0x0  }
0xce: {  	[sflag:s30] =	ssyncadd.s32 $0xFFFFC000  }
0xcf: {  	p0 =	sne.s32 s15, $0x1;
	_ =	swait.ge [sflag:s2], $0x4000  }
.Ltmp0:
0xd0: {  	[sflag:s2] =	ssyncset.done $0x0;
	(pc) =	sbr.rel @p0 .LBB2_1-.Ltmp0, $4  }
0xd1: {  	[sflag:s2] =	ssyncadd.s32 $0xFFFFC000  }
0xd2: {  	_ =	swait.ge [sflag:s23], $0x4000  }
0xd3: {  	[sflag:s23] =	ssyncset.done $0x0  }
0xd4: {  	s15 =	sadd.s32 $0xFFFFFFFF, s15;
	[sflag:s23] =	ssyncadd.s32 $0xFFFFC000  }
0xd5: {  	_ =	sfence.sel $0x180000  }
0xd6: {  	[bflag:$0x0] =	sbarrier.arrive $0xFFFF  }
0xd7: {  	_ =	strace $0x90000047  }
0xd8: {  	s0 =	stileid.u32;
	[bflag:$0x2] =	sbarrier.arrive $0xFFFF  }
0xd9: {  	p0 =	sne.s32 s0, $0x0;
	s0 =	rddreg [dreg:$0x3]  }
0xda: {  	s0 =	sadd.s32 @!p0 $0x100000, s0  }
0xdb: {  	[sflag:s0] =	ssyncadd.tile.s32 @!p0 $0x1;
	_ =	shalt  }
.Lfunc_end2:
_tile_overlayer_lowered:
.L_overlay_start_2:
0xdc: {  	(tag) =	ssettag $0x2  }
0xdd: {  	s0 =	rddreg [dreg:$0x0];
	s2 =	stileid.u32  }
0xde: {  	s1 =	rddreg [dreg:$0x1];
	p0 =	sne.s32 s2, $0x0  }
0xdf: {  	s3 =	rddreg [dreg:$0x2];
	[bflag:$0x3] =	sbarrier.arrive $0xFFFF;
	s2 =	simm.s32 @!p0 $0x1C0B  }
0xe0: {  	[timem:s3], [sflag:s2] =	dma.local @!p0 [hbm:s0], s1  }
0xe1: {  	s0 =	simm.s32 @!p0 $0xB  }
0xe2: {  	_ =	swait.ge @!p0 [sflag:s0], s1  }
0xe3: {  	s1 =	ssub.s32 @!p0 $0x0, s1;
	[sflag:s0] =	ssyncset.done @!p0 $0x0  }
0xe4: {  	[sflag:s0] =	ssyncadd.s32 @!p0 s1  }
0xe5: {  	[bflag:$0x3] =	sbarrier.arrive $0xFFFF  }
0xe6: {  	_ =	shalt  }

</sc_bundles>
